<compile_context>
chip_gen: v7x
topology: tpu7x:2x2x1
jax: 0.10.2.dev20260603
libtpu: 0.0.44.dev20260713+nightly
codegen_flags: <defaults>
</compile_context>

<pallas_src>
import functools

import jax
import jax.numpy as jnp
from jax import lax
from jax.experimental import pallas as pl
from jax.experimental.pallas import tpu as pltpu
from jax.experimental.pallas import tpu_sc as plsc

LENGTH = 4096
NUM_AA = 20
BATCH = 16384
N_MUT = 32
TABLE = LENGTH * NUM_AA

NC, NS, LANES = 2, 16, 16
NW = NC * NS
B_PER_W = BATCH // NW
G_PER_W = B_PER_W // LANES


def _tc_prep(lt_ref, table_ref):
    x = lt_ref[...]
    x = x - jnp.max(x, axis=0, keepdims=True)
    lse = jnp.log(jnp.sum(jnp.exp(x), axis=0, keepdims=True))
    table_ref[...] = (x - lse).reshape(TABLE)


CHUNK = TABLE // NS


def _sc_body(table_hbm, pos_hbm, aa_hbm, out_hbm,
             table_v, pos_v, aa_v, out_v, shared_t, sem_p, sem_a):
    sid = lax.axis_index("s")
    wid = sid * NC + lax.axis_index("c")
    base = wid * B_PER_W
    cp_p = pltpu.make_async_copy(
        pos_hbm.at[:, pl.ds(base, B_PER_W)], pos_v, sem_p)
    cp_a = pltpu.make_async_copy(
        aa_hbm.at[:, pl.ds(base, B_PER_W)], aa_v, sem_a)
    cp_p.start()
    cp_a.start()
    pltpu.sync_copy(table_hbm.at[pl.ds(sid * CHUNK, CHUNK)],
                    shared_t.at[pl.ds(sid * CHUNK, CHUNK)])
    plsc.subcore_barrier()
    pltpu.sync_copy(shared_t, table_v)
    cp_p.wait()
    cp_a.wait()

    def group(g, carry):
        sl = pl.ds(g * LANES, LANES)
        acc = jnp.zeros((LANES,), jnp.float32)
        for m in range(N_MUT):
            idx = aa_v[m, sl] * LENGTH + pos_v[m, sl]
            acc = acc + plsc.load_gather(table_v, [idx])
        out_v[sl] = acc * (1.0 / N_MUT)
        return carry

    lax.fori_loop(0, G_PER_W, group, 0)
    pltpu.sync_copy(out_v, out_hbm.at[pl.ds(base, B_PER_W)])


@functools.cache
def _sc_call():
    return pl.kernel(
        _sc_body,
        out_type=jax.ShapeDtypeStruct((BATCH,), jnp.float32),
        mesh=plsc.VectorSubcoreMesh(
            core_axis_name="c", subcore_axis_name="s",
            num_cores=NC, num_subcores=NS,
        ),
        scratch_types=[
            pltpu.VMEM((TABLE,), jnp.float32),
            pltpu.VMEM((N_MUT, B_PER_W), jnp.int32),
            pltpu.VMEM((N_MUT, B_PER_W), jnp.int32),
            pltpu.VMEM((B_PER_W,), jnp.float32),
            pltpu.VMEM_SHARED((TABLE,), jnp.float32),
            pltpu.SemaphoreType.DMA,
            pltpu.SemaphoreType.DMA,
        ],
        compiler_params=pltpu.CompilerParams(needs_layout_passes=False),
    )


def kernel(logits, positions, aa_idx):
    table = pl.pallas_call(
        _tc_prep,
        out_shape=jax.ShapeDtypeStruct((TABLE,), jnp.float32),
    )(logits.T)
    return _sc_call()(table, positions.T, aa_idx.T)

# --- scband reference (transcript-rebuilt; emitter-appended) ---
"""Pipeline reference for scband-independent-mutation-policy-60919816126810 (READ-ONLY COPY).

The authoritative reference and input builder live on the scoring server;
editing this copy changes nothing except your own understanding.
"""

import jax, jax.numpy as jnp
import numpy as np

LENGTH = 4096
NUM_AA = 20
BATCH = 16384
N_MUT = 32

def setup_inputs(seed: int = 0) -> dict:
    key = jax.random.key(seed)
    k1, k2, k3 = jax.random.split(key, 3)
    logits = jax.random.normal(k1, (LENGTH, NUM_AA), dtype=jnp.float32)
    positions = jax.random.randint(k2, (BATCH, N_MUT), 0, LENGTH, dtype=jnp.int64 if jax.config.jax_enable_x64 else jnp.int32).astype(jnp.int32)
    aa_idx = jax.random.randint(k3, (BATCH, N_MUT), 0, NUM_AA).astype(jnp.int32)
    return {"logits": logits, "positions": positions, "aa_idx": aa_idx}

def reference(logits, positions, aa_idx):
    # Batched, vectorized version of IndependentMutationPolicy.avg_log_prob:
    # for each sequence b, for each mutation m at site positions[b,m] mutating to
    # amino-acid aa_idx[b,m], gather log_softmax(logits[pos])[aa] and average over
    # mutations. Same math as torch.log_softmax(self.logits[pos], dim=-1)[idx].mean().
    rows = jnp.take(logits, positions, axis=0)            # [B, M, NUM_AA] gather
    log_probs = jax.nn.log_softmax(rows, axis=-1)         # per-site log-softmax
    lp = jnp.take_along_axis(log_probs, aa_idx[..., None], axis=-1)[..., 0]  # [B, M]
    return lp.mean(axis=-1)                               # [B] avg log-prob per sequence

if __name__ == "__main__":
    import jax
    _d = setup_inputs()
    print(jax.jit(kernel)(*tuple(_d.values())))

</pallas_src>

<mosaic_0001>
#map = affine_map<(d0, d1) -> (0)>
#map1 = affine_map<(d0, d1) -> (0, 0)>
module attributes {stable_mosaic.version = 14 : i64} {
  func.func @_sc_body(%arg0: i32, %arg1: i32, %arg2: memref<81920xf32, #tpu.memory_space<hbm>>, %arg3: memref<32x16384xi32, #tpu.memory_space<hbm>>, %arg4: memref<32x16384xi32, #tpu.memory_space<hbm>>, %arg5: memref<16384xf32, #tpu.memory_space<hbm>>, %arg6: memref<81920xf32, #tpu.memory_space<vmem>>, %arg7: memref<32x512xi32, #tpu.memory_space<vmem>>, %arg8: memref<32x512xi32, #tpu.memory_space<vmem>>, %arg9: memref<512xf32, #tpu.memory_space<vmem>>, %arg10: memref<81920xf32, #tpu.memory_space<vmem_shared>>, %arg11: memref<!tpu.dma_semaphore, #tpu.memory_space<semaphore_mem>>, %arg12: memref<!tpu.dma_semaphore, #tpu.memory_space<semaphore_mem>>) attributes {dimension_semantics = [#tpu.dimension_semantics<core_parallel>, #tpu.dimension_semantics<subcore_parallel>], iteration_bounds = array<i64: 2, 16>, scalar_prefetch = 0 : i64, scratch_operands = 7 : i64, tpu.core_type = #tpu.core_type<sc_vector_subcore>, window_params = [{transform_indices = #map}, {transform_indices = #map1}, {transform_indices = #map1}, {transform_indices = #map}]} {
    %mul3A = arith.constant 2 : i32
    %mul3A_0 = arith.muli %arg1, %mul3A : i32
    %add3A = arith.addi %mul3A_0, %arg0 : i32
    %mul3A_1 = arith.constant 512 : i32
    %mul3A_2 = arith.muli %add3A, %mul3A_1 : i32
    %dma_start3A = arith.constant 0 : i32
    %dma_start3A_3 = tpu.memref_slice %arg3[%dma_start3A, %mul3A_2] : memref<32x16384xi32, #tpu.memory_space<hbm>> -> memref<32x512xi32, #tpu.memory_space<hbm>>
    %dma_start3A_4 = arith.constant 0 : i32
    %dma_start3A_5 = tpu.memref_slice %arg3[%dma_start3A_4, %mul3A_2] : memref<32x16384xi32, #tpu.memory_space<hbm>> -> memref<32x512xi32, #tpu.memory_space<hbm>>
    tpu.enqueue_dma source(%dma_start3A_5 : memref<32x512xi32, #tpu.memory_space<hbm>>) target(%arg7 : memref<32x512xi32, #tpu.memory_space<vmem>>) target_semaphore(%arg11 : memref<!tpu.dma_semaphore, #tpu.memory_space<semaphore_mem>>)
    %dma_start3A_6 = arith.constant 0 : i32
    %dma_start3A_7 = tpu.memref_slice %arg4[%dma_start3A_6, %mul3A_2] : memref<32x16384xi32, #tpu.memory_space<hbm>> -> memref<32x512xi32, #tpu.memory_space<hbm>>
    %dma_start3A_8 = arith.constant 0 : i32
    %dma_start3A_9 = tpu.memref_slice %arg4[%dma_start3A_8, %mul3A_2] : memref<32x16384xi32, #tpu.memory_space<hbm>> -> memref<32x512xi32, #tpu.memory_space<hbm>>
    tpu.enqueue_dma source(%dma_start3A_9 : memref<32x512xi32, #tpu.memory_space<hbm>>) target(%arg8 : memref<32x512xi32, #tpu.memory_space<vmem>>) target_semaphore(%arg12 : memref<!tpu.dma_semaphore, #tpu.memory_space<semaphore_mem>>)
    %mul3A_10 = arith.constant 5120 : i32
    %mul3A_11 = arith.muli %arg1, %mul3A_10 : i32
    %mul3A_12 = arith.constant 5120 : i32
    %mul3A_13 = arith.muli %arg1, %mul3A_12 : i32
    "tpu.region"() ({
      %run_scoped3A = tpu.sem_alloc : memref<!tpu.dma_semaphore, #tpu.memory_space<semaphore_mem>>
      %dma_start3A_26 = tpu.memref_slice %arg10[%mul3A_13] : memref<81920xf32, #tpu.memory_space<vmem_shared>> -> memref<5120xf32, #tpu.memory_space<vmem_shared>>
      %dma_start3A_27 = tpu.memref_slice %arg2[%mul3A_11] : memref<81920xf32, #tpu.memory_space<hbm>> -> memref<5120xf32, #tpu.memory_space<hbm>>
      tpu.enqueue_dma source(%dma_start3A_27 : memref<5120xf32, #tpu.memory_space<hbm>>) target(%dma_start3A_26 : memref<5120xf32, #tpu.memory_space<vmem_shared>>) target_semaphore(%run_scoped3A : memref<!tpu.dma_semaphore, #tpu.memory_space<semaphore_mem>>)
      %dma_wait3A_28 = tpu.memref_slice %arg10[%mul3A_13] : memref<81920xf32, #tpu.memory_space<vmem_shared>> -> memref<5120xf32, #tpu.memory_space<vmem_shared>>
      %dma_wait3A_29 = tpu.memref_slice %arg2[%mul3A_11] : memref<81920xf32, #tpu.memory_space<hbm>> -> memref<5120xf32, #tpu.memory_space<hbm>>
      tpu.wait_dma2 semaphore(%run_scoped3A : memref<!tpu.dma_semaphore, #tpu.memory_space<semaphore_mem>>) src(%dma_wait3A_29 : memref<5120xf32, #tpu.memory_space<hbm>>) dst(%dma_wait3A_28 : memref<5120xf32, #tpu.memory_space<vmem_shared>>)
      tpu.yield
    }) : () -> ()
    %barrier3A = arith.constant 0 : index
    tpu.barrier barrier_id(%barrier3A)
    "tpu.region"() ({
      %run_scoped3A = tpu.sem_alloc : memref<!tpu.dma_semaphore, #tpu.memory_space<semaphore_mem>>
      tpu.enqueue_dma source(%arg10 : memref<81920xf32, #tpu.memory_space<vmem_shared>>) target(%arg6 : memref<81920xf32, #tpu.memory_space<vmem>>) target_semaphore(%run_scoped3A : memref<!tpu.dma_semaphore, #tpu.memory_space<semaphore_mem>>)
      tpu.wait_dma2 semaphore(%run_scoped3A : memref<!tpu.dma_semaphore, #tpu.memory_space<semaphore_mem>>) src(%arg10 : memref<81920xf32, #tpu.memory_space<vmem_shared>>) dst(%arg6 : memref<81920xf32, #tpu.memory_space<vmem>>)
      tpu.yield
    }) : () -> ()
    %dma_wait3A = arith.constant 0 : i32
    %dma_wait3A_14 = tpu.memref_slice %arg3[%dma_wait3A, %mul3A_2] : memref<32x16384xi32, #tpu.memory_space<hbm>> -> memref<32x512xi32, #tpu.memory_space<hbm>>
    %dma_wait3A_15 = arith.constant 0 : i32
    %dma_wait3A_16 = tpu.memref_slice %arg3[%dma_wait3A_15, %mul3A_2] : memref<32x16384xi32, #tpu.memory_space<hbm>> -> memref<32x512xi32, #tpu.memory_space<hbm>>
    tpu.wait_dma2 semaphore(%arg11 : memref<!tpu.dma_semaphore, #tpu.memory_space<semaphore_mem>>) src(%dma_wait3A_16 : memref<32x512xi32, #tpu.memory_space<hbm>>) dst(%arg7 : memref<32x512xi32, #tpu.memory_space<vmem>>)
    %dma_wait3A_17 = arith.constant 0 : i32
    %dma_wait3A_18 = tpu.memref_slice %arg4[%dma_wait3A_17, %mul3A_2] : memref<32x16384xi32, #tpu.memory_space<hbm>> -> memref<32x512xi32, #tpu.memory_space<hbm>>
    %dma_wait3A_19 = arith.constant 0 : i32
    %dma_wait3A_20 = tpu.memref_slice %arg4[%dma_wait3A_19, %mul3A_2] : memref<32x16384xi32, #tpu.memory_space<hbm>> -> memref<32x512xi32, #tpu.memory_space<hbm>>
    tpu.wait_dma2 semaphore(%arg12 : memref<!tpu.dma_semaphore, #tpu.memory_space<semaphore_mem>>) src(%dma_wait3A_20 : memref<32x512xi32, #tpu.memory_space<hbm>>) dst(%arg8 : memref<32x512xi32, #tpu.memory_space<vmem>>)
    %scan3A = arith.constant 0 : i32
    %scan3A_21 = arith.constant 0 : i32
    %scan3A_22 = arith.constant 32 : i32
    %scan3A_23 = arith.addi %scan3A_21, %scan3A_22 : i32
    %scan3A_24 = arith.constant 1 : i32
    scf.for %scan3A_26 = %scan3A_21 to %scan3A_23 step %scan3A_24  : i32 {
      %mul3A_27 = arith.constant 16 : i32
      %mul3A_28 = arith.muli %scan3A_26, %mul3A_27 : i32
      %broadcast_in_dim3A = arith.constant 0.000000e+00 : f32
      %broadcast_in_dim3A_29 = vector.broadcast %broadcast_in_dim3A : f32 to vector<16xf32>
      %get3A = arith.constant 0 : i32
      %get3A_30 = arith.index_cast %get3A : i32 to index
      %get3A_31 = arith.index_cast %mul3A_28 : i32 to index
      %get3A_32 = tpu.vector_load %arg8[%get3A_30, %get3A_31] {strides = array<i32>} : memref<32x512xi32, #tpu.memory_space<vmem>>, vector<16xi32>,
      %mul3A_33 = arith.constant 4096 : i32
      %mul3A_34 = vector.broadcast %mul3A_33 : i32 to vector<16xi32>
      %mul3A_35 = arith.muli %get3A_32, %mul3A_34 : vector<16xi32>
      %get3A_36 = arith.constant 0 : i32
      %get3A_37 = arith.index_cast %get3A_36 : i32 to index
      %get3A_38 = arith.index_cast %mul3A_28 : i32 to index
      %get3A_39 = tpu.vector_load %arg7[%get3A_37, %get3A_38] {strides = array<i32>} : memref<32x512xi32, #tpu.memory_space<vmem>>, vector<16xi32>,
      %add3A_40 = arith.addi %mul3A_35, %get3A_39 : vector<16xi32>
      %gather3A = tpu.vector_load_idx %arg6[%add3A_40] : memref<81920xf32, #tpu.memory_space<vmem>>[vector<16xi32>], vector<16xf32>,
      %add3A_41 = arith.addf %broadcast_in_dim3A_29, %gather3A : vector<16xf32>
      %get3A_42 = arith.constant 1 : i32
      %get3A_43 = arith.index_cast %get3A_42 : i32 to index
      %get3A_44 = arith.index_cast %mul3A_28 : i32 to index
      %get3A_45 = tpu.vector_load %arg8[%get3A_43, %get3A_44] {strides = array<i32>} : memref<32x512xi32, #tpu.memory_space<vmem>>, vector<16xi32>,
      %mul3A_46 = arith.constant 4096 : i32
      %mul3A_47 = vector.broadcast %mul3A_46 : i32 to vector<16xi32>
      %mul3A_48 = arith.muli %get3A_45, %mul3A_47 : vector<16xi32>
      %get3A_49 = arith.constant 1 : i32
      %get3A_50 = arith.index_cast %get3A_49 : i32 to index
      %get3A_51 = arith.index_cast %mul3A_28 : i32 to index
      %get3A_52 = tpu.vector_load %arg7[%get3A_50, %get3A_51] {strides = array<i32>} : memref<32x512xi32, #tpu.memory_space<vmem>>, vector<16xi32>,
      %add3A_53 = arith.addi %mul3A_48, %get3A_52 : vector<16xi32>
      %gather3A_54 = tpu.vector_load_idx %arg6[%add3A_53] : memref<81920xf32, #tpu.memory_space<vmem>>[vector<16xi32>], vector<16xf32>,
      %add3A_55 = arith.addf %add3A_41, %gather3A_54 : vector<16xf32>
      %get3A_56 = arith.constant 2 : i32
      %get3A_57 = arith.index_cast %get3A_56 : i32 to index
      %get3A_58 = arith.index_cast %mul3A_28 : i32 to index
      %get3A_59 = tpu.vector_load %arg8[%get3A_57, %get3A_58] {strides = array<i32>} : memref<32x512xi32, #tpu.memory_space<vmem>>, vector<16xi32>,
      %mul3A_60 = arith.constant 4096 : i32
      %mul3A_61 = vector.broadcast %mul3A_60 : i32 to vector<16xi32>
      %mul3A_62 = arith.muli %get3A_59, %mul3A_61 : vector<16xi32>
      %get3A_63 = arith.constant 2 : i32
      %get3A_64 = arith.index_cast %get3A_63 : i32 to index
      %get3A_65 = arith.index_cast %mul3A_28 : i32 to index
      %get3A_66 = tpu.vector_load %arg7[%get3A_64, %get3A_65] {strides = array<i32>} : memref<32x512xi32, #tpu.memory_space<vmem>>, vector<16xi32>,
      %add3A_67 = arith.addi %mul3A_62, %get3A_66 : vector<16xi32>
      %gather3A_68 = tpu.vector_load_idx %arg6[%add3A_67] : memref<81920xf32, #tpu.memory_space<vmem>>[vector<16xi32>], vector<16xf32>,
      %add3A_69 = arith.addf %add3A_55, %gather3A_68 : vector<16xf32>
      %get3A_70 = arith.constant 3 : i32
      %get3A_71 = arith.index_cast %get3A_70 : i32 to index
      %get3A_72 = arith.index_cast %mul3A_28 : i32 to index
      %get3A_73 = tpu.vector_load %arg8[%get3A_71, %get3A_72] {strides = array<i32>} : memref<32x512xi32, #tpu.memory_space<vmem>>, vector<16xi32>,
      %mul3A_74 = arith.constant 4096 : i32
      %mul3A_75 = vector.broadcast %mul3A_74 : i32 to vector<16xi32>
      %mul3A_76 = arith.muli %get3A_73, %mul3A_75 : vector<16xi32>
      %get3A_77 = arith.constant 3 : i32
      %get3A_78 = arith.index_cast %get3A_77 : i32 to index
      %get3A_79 = arith.index_cast %mul3A_28 : i32 to index
      %get3A_80 = tpu.vector_load %arg7[%get3A_78, %get3A_79] {strides = array<i32>} : memref<32x512xi32, #tpu.memory_space<vmem>>, vector<16xi32>,
      %add3A_81 = arith.addi %mul3A_76, %get3A_80 : vector<16xi32>
      %gather3A_82 = tpu.vector_load_idx %arg6[%add3A_81] : memref<81920xf32, #tpu.memory_space<vmem>>[vector<16xi32>], vector<16xf32>,
      %add3A_83 = arith.addf %add3A_69, %gather3A_82 : vector<16xf32>
      %get3A_84 = arith.constant 4 : i32
      %get3A_85 = arith.index_cast %get3A_84 : i32 to index
      %get3A_86 = arith.index_cast %mul3A_28 : i32 to index
      %get3A_87 = tpu.vector_load %arg8[%get3A_85, %get3A_86] {strides = array<i32>} : memref<32x512xi32, #tpu.memory_space<vmem>>, vector<16xi32>,
      %mul3A_88 = arith.constant 4096 : i32
      %mul3A_89 = vector.broadcast %mul3A_88 : i32 to vector<16xi32>
      %mul3A_90 = arith.muli %get3A_87, %mul3A_89 : vector<16xi32>
      %get3A_91 = arith.constant 4 : i32
      %get3A_92 = arith.index_cast %get3A_91 : i32 to index
      %get3A_93 = arith.index_cast %mul3A_28 : i32 to index
      %get3A_94 = tpu.vector_load %arg7[%get3A_92, %get3A_93] {strides = array<i32>} : memref<32x512xi32, #tpu.memory_space<vmem>>, vector<16xi32>,
      %add3A_95 = arith.addi %mul3A_90, %get3A_94 : vector<16xi32>
      %gather3A_96 = tpu.vector_load_idx %arg6[%add3A_95] : memref<81920xf32, #tpu.memory_space<vmem>>[vector<16xi32>], vector<16xf32>,
      %add3A_97 = arith.addf %add3A_83, %gather3A_96 : vector<16xf32>
      %get3A_98 = arith.constant 5 : i32
      %get3A_99 = arith.index_cast %get3A_98 : i32 to index
      %get3A_100 = arith.index_cast %mul3A_28 : i32 to index
      %get3A_101 = tpu.vector_load %arg8[%get3A_99, %get3A_100] {strides = array<i32>} : memref<32x512xi32, #tpu.memory_space<vmem>>, vector<16xi32>,
      %mul3A_102 = arith.constant 4096 : i32
      %mul3A_103 = vector.broadcast %mul3A_102 : i32 to vector<16xi32>
      %mul3A_104 = arith.muli %get3A_101, %mul3A_103 : vector<16xi32>
      %get3A_105 = arith.constant 5 : i32
      %get3A_106 = arith.index_cast %get3A_105 : i32 to index
      %get3A_107 = arith.index_cast %mul3A_28 : i32 to index
      %get3A_108 = tpu.vector_load %arg7[%get3A_106, %get3A_107] {strides = array<i32>} : memref<32x512xi32, #tpu.memory_space<vmem>>, vector<16xi32>,
      %add3A_109 = arith.addi %mul3A_104, %get3A_108 : vector<16xi32>
      %gather3A_110 = tpu.vector_load_idx %arg6[%add3A_109] : memref<81920xf32, #tpu.memory_space<vmem>>[vector<16xi32>], vector<16xf32>,
      %add3A_111 = arith.addf %add3A_97, %gather3A_110 : vector<16xf32>
      %get3A_112 = arith.constant 6 : i32
      %get3A_113 = arith.index_cast %get3A_112 : i32 to index
      %get3A_114 = arith.index_cast %mul3A_28 : i32 to index
      %get3A_115 = tpu.vector_load %arg8[%get3A_113, %get3A_114] {strides = array<i32>} : memref<32x512xi32, #tpu.memory_space<vmem>>, vector<16xi32>,
      %mul3A_116 = arith.constant 4096 : i32
      %mul3A_117 = vector.broadcast %mul3A_116 : i32 to vector<16xi32>
      %mul3A_118 = arith.muli %get3A_115, %mul3A_117 : vector<16xi32>
      %get3A_119 = arith.constant 6 : i32
      %get3A_120 = arith.index_cast %get3A_119 : i32 to index
      %get3A_121 = arith.index_cast %mul3A_28 : i32 to index
      %get3A_122 = tpu.vector_load %arg7[%get3A_120, %get3A_121] {strides = array<i32>} : memref<32x512xi32, #tpu.memory_space<vmem>>, vector<16xi32>,
      %add3A_123 = arith.addi %mul3A_118, %get3A_122 : vector<16xi32>
      %gather3A_124 = tpu.vector_load_idx %arg6[%add3A_123] : memref<81920xf32, #tpu.memory_space<vmem>>[vector<16xi32>], vector<16xf32>,
      %add3A_125 = arith.addf %add3A_111, %gather3A_124 : vector<16xf32>
      %get3A_126 = arith.constant 7 : i32
      %get3A_127 = arith.index_cast %get3A_126 : i32 to index
      %get3A_128 = arith.index_cast %mul3A_28 : i32 to index
      %get3A_129 = tpu.vector_load %arg8[%get3A_127, %get3A_128] {strides = array<i32>} : memref<32x512xi32, #tpu.memory_space<vmem>>, vector<16xi32>,
      %mul3A_130 = arith.constant 4096 : i32
      %mul3A_131 = vector.broadcast %mul3A_130 : i32 to vector<16xi32>
      %mul3A_132 = arith.muli %get3A_129, %mul3A_131 : vector<16xi32>
      %get3A_133 = arith.constant 7 : i32
      %get3A_134 = arith.index_cast %get3A_133 : i32 to index
      %get3A_135 = arith.index_cast %mul3A_28 : i32 to index
      %get3A_136 = tpu.vector_load %arg7[%get3A_134, %get3A_135] {strides = array<i32>} : memref<32x512xi32, #tpu.memory_space<vmem>>, vector<16xi32>,
      %add3A_137 = arith.addi %mul3A_132, %get3A_136 : vector<16xi32>
      %gather3A_138 = tpu.vector_load_idx %arg6[%add3A_137] : memref<81920xf32, #tpu.memory_space<vmem>>[vector<16xi32>], vector<16xf32>,
      %add3A_139 = arith.addf %add3A_125, %gather3A_138 : vector<16xf32>
      %get3A_140 = arith.constant 8 : i32
      %get3A_141 = arith.index_cast %get3A_140 : i32 to index
      %get3A_142 = arith.index_cast %mul3A_28 : i32 to index
      %get3A_143 = tpu.vector_load %arg8[%get3A_141, %get3A_142] {strides = array<i32>} : memref<32x512xi32, #tpu.memory_space<vmem>>, vector<16xi32>,
      %mul3A_144 = arith.constant 4096 : i32
      %mul3A_145 = vector.broadcast %mul3A_144 : i32 to vector<16xi32>
      %mul3A_146 = arith.muli %get3A_143, %mul3A_145 : vector<16xi32>
      %get3A_147 = arith.constant 8 : i32
      %get3A_148 = arith.index_cast %get3A_147 : i32 to index
      %get3A_149 = arith.index_cast %mul3A_28 : i32 to index
      %get3A_150 = tpu.vector_load %arg7[%get3A_148, %get3A_149] {strides = array<i32>} : memref<32x512xi32, #tpu.memory_space<vmem>>, vector<16xi32>,
      %add3A_151 = arith.addi %mul3A_146, %get3A_150 : vector<16xi32>
      %gather3A_152 = tpu.vector_load_idx %arg6[%add3A_151] : memref<81920xf32, #tpu.memory_space<vmem>>[vector<16xi32>], vector<16xf32>,
      %add3A_153 = arith.addf %add3A_139, %gather3A_152 : vector<16xf32>
      %get3A_154 = arith.constant 9 : i32
      %get3A_155 = arith.index_cast %get3A_154 : i32 to index
      %get3A_156 = arith.index_cast %mul3A_28 : i32 to index
      %get3A_157 = tpu.vector_load %arg8[%get3A_155, %get3A_156] {strides = array<i32>} : memref<32x512xi32, #tpu.memory_space<vmem>>, vector<16xi32>,
      %mul3A_158 = arith.constant 4096 : i32
      %mul3A_159 = vector.broadcast %mul3A_158 : i32 to vector<16xi32>
      %mul3A_160 = arith.muli %get3A_157, %mul3A_159 : vector<16xi32>
      %get3A_161 = arith.constant 9 : i32
      %get3A_162 = arith.index_cast %get3A_161 : i32 to index
      %get3A_163 = arith.index_cast %mul3A_28 : i32 to index
      %get3A_164 = tpu.vector_load %arg7[%get3A_162, %get3A_163] {strides = array<i32>} : memref<32x512xi32, #tpu.memory_space<vmem>>, vector<16xi32>,
      %add3A_165 = arith.addi %mul3A_160, %get3A_164 : vector<16xi32>
      %gather3A_166 = tpu.vector_load_idx %arg6[%add3A_165] : memref<81920xf32, #tpu.memory_space<vmem>>[vector<16xi32>], vector<16xf32>,
      %add3A_167 = arith.addf %add3A_153, %gather3A_166 : vector<16xf32>
      %get3A_168 = arith.constant 10 : i32
      %get3A_169 = arith.index_cast %get3A_168 : i32 to index
      %get3A_170 = arith.index_cast %mul3A_28 : i32 to index
      %get3A_171 = tpu.vector_load %arg8[%get3A_169, %get3A_170] {strides = array<i32>} : memref<32x512xi32, #tpu.memory_space<vmem>>, vector<16xi32>,
      %mul3A_172 = arith.constant 4096 : i32
      %mul3A_173 = vector.broadcast %mul3A_172 : i32 to vector<16xi32>
      %mul3A_174 = arith.muli %get3A_171, %mul3A_173 : vector<16xi32>
      %get3A_175 = arith.constant 10 : i32
      %get3A_176 = arith.index_cast %get3A_175 : i32 to index
      %get3A_177 = arith.index_cast %mul3A_28 : i32 to index
      %get3A_178 = tpu.vector_load %arg7[%get3A_176, %get3A_177] {strides = array<i32>} : memref<32x512xi32, #tpu.memory_space<vmem>>, vector<16xi32>,
      %add3A_179 = arith.addi %mul3A_174, %get3A_178 : vector<16xi32>
      %gather3A_180 = tpu.vector_load_idx %arg6[%add3A_179] : memref<81920xf32, #tpu.memory_space<vmem>>[vector<16xi32>], vector<16xf32>,
      %add3A_181 = arith.addf %add3A_167, %gather3A_180 : vector<16xf32>
      %get3A_182 = arith.constant 11 : i32
      %get3A_183 = arith.index_cast %get3A_182 : i32 to index
      %get3A_184 = arith.index_cast %mul3A_28 : i32 to index
      %get3A_185 = tpu.vector_load %arg8[%get3A_183, %get3A_184] {strides = array<i32>} : memref<32x512xi32, #tpu.memory_space<vmem>>, vector<16xi32>,
      %mul3A_186 = arith.constant 4096 : i32
      %mul3A_187 = vector.broadcast %mul3A_186 : i32 to vector<16xi32>
      %mul3A_188 = arith.muli %get3A_185, %mul3A_187 : vector<16xi32>
      %get3A_189 = arith.constant 11 : i32
      %get3A_190 = arith.index_cast %get3A_189 : i32 to index
      %get3A_191 = arith.index_cast %mul3A_28 : i32 to index
      %get3A_192 = tpu.vector_load %arg7[%get3A_190, %get3A_191] {strides = array<i32>} : memref<32x512xi32, #tpu.memory_space<vmem>>, vector<16xi32>,
      %add3A_193 = arith.addi %mul3A_188, %get3A_192 : vector<16xi32>
      %gather3A_194 = tpu.vector_load_idx %arg6[%add3A_193] : memref<81920xf32, #tpu.memory_space<vmem>>[vector<16xi32>], vector<16xf32>,
      %add3A_195 = arith.addf %add3A_181, %gather3A_194 : vector<16xf32>
      %get3A_196 = arith.constant 12 : i32
      %get3A_197 = arith.index_cast %get3A_196 : i32 to index
      %get3A_198 = arith.index_cast %mul3A_28 : i32 to index
      %get3A_199 = tpu.vector_load %arg8[%get3A_197, %get3A_198] {strides = array<i32>} : memref<32x512xi32, #tpu.memory_space<vmem>>, vector<16xi32>,
      %mul3A_200 = arith.constant 4096 : i32
      %mul3A_201 = vector.broadcast %mul3A_200 : i32 to vector<16xi32>
      %mul3A_202 = arith.muli %get3A_199, %mul3A_201 : vector<16xi32>
      %get3A_203 = arith.constant 12 : i32
      %get3A_204 = arith.index_cast %get3A_203 : i32 to index
      %get3A_205 = arith.index_cast %mul3A_28 : i32 to index
      %get3A_206 = tpu.vector_load %arg7[%get3A_204, %get3A_205] {strides = array<i32>} : memref<32x512xi32, #tpu.memory_space<vmem>>, vector<16xi32>,
      %add3A_207 = arith.addi %mul3A_202, %get3A_206 : vector<16xi32>
      %gather3A_208 = tpu.vector_load_idx %arg6[%add3A_207] : memref<81920xf32, #tpu.memory_space<vmem>>[vector<16xi32>], vector<16xf32>,
      %add3A_209 = arith.addf %add3A_195, %gather3A_208 : vector<16xf32>
      %get3A_210 = arith.constant 13 : i32
      %get3A_211 = arith.index_cast %get3A_210 : i32 to index
      %get3A_212 = arith.index_cast %mul3A_28 : i32 to index
      %get3A_213 = tpu.vector_load %arg8[%get3A_211, %get3A_212] {strides = array<i32>} : memref<32x512xi32, #tpu.memory_space<vmem>>, vector<16xi32>,
      %mul3A_214 = arith.constant 4096 : i32
      %mul3A_215 = vector.broadcast %mul3A_214 : i32 to vector<16xi32>
      %mul3A_216 = arith.muli %get3A_213, %mul3A_215 : vector<16xi32>
      %get3A_217 = arith.constant 13 : i32
      %get3A_218 = arith.index_cast %get3A_217 : i32 to index
      %get3A_219 = arith.index_cast %mul3A_28 : i32 to index
      %get3A_220 = tpu.vector_load %arg7[%get3A_218, %get3A_219] {strides = array<i32>} : memref<32x512xi32, #tpu.memory_space<vmem>>, vector<16xi32>,
      %add3A_221 = arith.addi %mul3A_216, %get3A_220 : vector<16xi32>
      %gather3A_222 = tpu.vector_load_idx %arg6[%add3A_221] : memref<81920xf32, #tpu.memory_space<vmem>>[vector<16xi32>], vector<16xf32>,
      %add3A_223 = arith.addf %add3A_209, %gather3A_222 : vector<16xf32>
      %get3A_224 = arith.constant 14 : i32
      %get3A_225 = arith.index_cast %get3A_224 : i32 to index
      %get3A_226 = arith.index_cast %mul3A_28 : i32 to index
      %get3A_227 = tpu.vector_load %arg8[%get3A_225, %get3A_226] {strides = array<i32>} : memref<32x512xi32, #tpu.memory_space<vmem>>, vector<16xi32>,
      %mul3A_228 = arith.constant 4096 : i32
      %mul3A_229 = vector.broadcast %mul3A_228 : i32 to vector<16xi32>
      %mul3A_230 = arith.muli %get3A_227, %mul3A_229 : vector<16xi32>
      %get3A_231 = arith.constant 14 : i32
      %get3A_232 = arith.index_cast %get3A_231 : i32 to index
      %get3A_233 = arith.index_cast %mul3A_28 : i32 to index
      %get3A_234 = tpu.vector_load %arg7[%get3A_232, %get3A_233] {strides = array<i32>} : memref<32x512xi32, #tpu.memory_space<vmem>>, vector<16xi32>,
      %add3A_235 = arith.addi %mul3A_230, %get3A_234 : vector<16xi32>
      %gather3A_236 = tpu.vector_load_idx %arg6[%add3A_235] : memref<81920xf32, #tpu.memory_space<vmem>>[vector<16xi32>], vector<16xf32>,
      %add3A_237 = arith.addf %add3A_223, %gather3A_236 : vector<16xf32>
      %get3A_238 = arith.constant 15 : i32
      %get3A_239 = arith.index_cast %get3A_238 : i32 to index
      %get3A_240 = arith.index_cast %mul3A_28 : i32 to index
      %get3A_241 = tpu.vector_load %arg8[%get3A_239, %get3A_240] {strides = array<i32>} : memref<32x512xi32, #tpu.memory_space<vmem>>, vector<16xi32>,
      %mul3A_242 = arith.constant 4096 : i32
      %mul3A_243 = vector.broadcast %mul3A_242 : i32 to vector<16xi32>
      %mul3A_244 = arith.muli %get3A_241, %mul3A_243 : vector<16xi32>
      %get3A_245 = arith.constant 15 : i32
      %get3A_246 = arith.index_cast %get3A_245 : i32 to index
      %get3A_247 = arith.index_cast %mul3A_28 : i32 to index
      %get3A_248 = tpu.vector_load %arg7[%get3A_246, %get3A_247] {strides = array<i32>} : memref<32x512xi32, #tpu.memory_space<vmem>>, vector<16xi32>,
      %add3A_249 = arith.addi %mul3A_244, %get3A_248 : vector<16xi32>
      %gather3A_250 = tpu.vector_load_idx %arg6[%add3A_249] : memref<81920xf32, #tpu.memory_space<vmem>>[vector<16xi32>], vector<16xf32>,
      %add3A_251 = arith.addf %add3A_237, %gather3A_250 : vector<16xf32>
      %get3A_252 = arith.constant 16 : i32
      %get3A_253 = arith.index_cast %get3A_252 : i32 to index
      %get3A_254 = arith.index_cast %mul3A_28 : i32 to index
      %get3A_255 = tpu.vector_load %arg8[%get3A_253, %get3A_254] {strides = array<i32>} : memref<32x512xi32, #tpu.memory_space<vmem>>, vector<16xi32>,
      %mul3A_256 = arith.constant 4096 : i32
      %mul3A_257 = vector.broadcast %mul3A_256 : i32 to vector<16xi32>
      %mul3A_258 = arith.muli %get3A_255, %mul3A_257 : vector<16xi32>
      %get3A_259 = arith.constant 16 : i32
      %get3A_260 = arith.index_cast %get3A_259 : i32 to index
      %get3A_261 = arith.index_cast %mul3A_28 : i32 to index
      %get3A_262 = tpu.vector_load %arg7[%get3A_260, %get3A_261] {strides = array<i32>} : memref<32x512xi32, #tpu.memory_space<vmem>>, vector<16xi32>,
      %add3A_263 = arith.addi %mul3A_258, %get3A_262 : vector<16xi32>
      %gather3A_264 = tpu.vector_load_idx %arg6[%add3A_263] : memref<81920xf32, #tpu.memory_space<vmem>>[vector<16xi32>], vector<16xf32>,
      %add3A_265 = arith.addf %add3A_251, %gather3A_264 : vector<16xf32>
      %get3A_266 = arith.constant 17 : i32
      %get3A_267 = arith.index_cast %get3A_266 : i32 to index
      %get3A_268 = arith.index_cast %mul3A_28 : i32 to index
      %get3A_269 = tpu.vector_load %arg8[%get3A_267, %get3A_268] {strides = array<i32>} : memref<32x512xi32, #tpu.memory_space<vmem>>, vector<16xi32>,
      %mul3A_270 = arith.constant 4096 : i32
      %mul3A_271 = vector.broadcast %mul3A_270 : i32 to vector<16xi32>
      %mul3A_272 = arith.muli %get3A_269, %mul3A_271 : vector<16xi32>
      %get3A_273 = arith.constant 17 : i32
      %get3A_274 = arith.index_cast %get3A_273 : i32 to index
      %get3A_275 = arith.index_cast %mul3A_28 : i32 to index
      %get3A_276 = tpu.vector_load %arg7[%get3A_274, %get3A_275] {strides = array<i32>} : memref<32x512xi32, #tpu.memory_space<vmem>>, vector<16xi32>,
      %add3A_277 = arith.addi %mul3A_272, %get3A_276 : vector<16xi32>
      %gather3A_278 = tpu.vector_load_idx %arg6[%add3A_277] : memref<81920xf32, #tpu.memory_space<vmem>>[vector<16xi32>], vector<16xf32>,
      %add3A_279 = arith.addf %add3A_265, %gather3A_278 : vector<16xf32>
      %get3A_280 = arith.constant 18 : i32
      %get3A_281 = arith.index_cast %get3A_280 : i32 to index
      %get3A_282 = arith.index_cast %mul3A_28 : i32 to index
      %get3A_283 = tpu.vector_load %arg8[%get3A_281, %get3A_282] {strides = array<i32>} : memref<32x512xi32, #tpu.memory_space<vmem>>, vector<16xi32>,
      %mul3A_284 = arith.constant 4096 : i32
      %mul3A_285 = vector.broadcast %mul3A_284 : i32 to vector<16xi32>
      %mul3A_286 = arith.muli %get3A_283, %mul3A_285 : vector<16xi32>
      %get3A_287 = arith.constant 18 : i32
      %get3A_288 = arith.index_cast %get3A_287 : i32 to index
      %get3A_289 = arith.index_cast %mul3A_28 : i32 to index
      %get3A_290 = tpu.vector_load %arg7[%get3A_288, %get3A_289] {strides = array<i32>} : memref<32x512xi32, #tpu.memory_space<vmem>>, vector<16xi32>,
      %add3A_291 = arith.addi %mul3A_286, %get3A_290 : vector<16xi32>
      %gather3A_292 = tpu.vector_load_idx %arg6[%add3A_291] : memref<81920xf32, #tpu.memory_space<vmem>>[vector<16xi32>], vector<16xf32>,
      %add3A_293 = arith.addf %add3A_279, %gather3A_292 : vector<16xf32>
      %get3A_294 = arith.constant 19 : i32
      %get3A_295 = arith.index_cast %get3A_294 : i32 to index
      %get3A_296 = arith.index_cast %mul3A_28 : i32 to index
      %get3A_297 = tpu.vector_load %arg8[%get3A_295, %get3A_296] {strides = array<i32>} : memref<32x512xi32, #tpu.memory_space<vmem>>, vector<16xi32>,
      %mul3A_298 = arith.constant 4096 : i32
      %mul3A_299 = vector.broadcast %mul3A_298 : i32 to vector<16xi32>
      %mul3A_300 = arith.muli %get3A_297, %mul3A_299 : vector<16xi32>
      %get3A_301 = arith.constant 19 : i32
      %get3A_302 = arith.index_cast %get3A_301 : i32 to index
      %get3A_303 = arith.index_cast %mul3A_28 : i32 to index
      %get3A_304 = tpu.vector_load %arg7[%get3A_302, %get3A_303] {strides = array<i32>} : memref<32x512xi32, #tpu.memory_space<vmem>>, vector<16xi32>,
      %add3A_305 = arith.addi %mul3A_300, %get3A_304 : vector<16xi32>
      %gather3A_306 = tpu.vector_load_idx %arg6[%add3A_305] : memref<81920xf32, #tpu.memory_space<vmem>>[vector<16xi32>], vector<16xf32>,
      %add3A_307 = arith.addf %add3A_293, %gather3A_306 : vector<16xf32>
      %get3A_308 = arith.constant 20 : i32
      %get3A_309 = arith.index_cast %get3A_308 : i32 to index
      %get3A_310 = arith.index_cast %mul3A_28 : i32 to index
      %get3A_311 = tpu.vector_load %arg8[%get3A_309, %get3A_310] {strides = array<i32>} : memref<32x512xi32, #tpu.memory_space<vmem>>, vector<16xi32>,
      %mul3A_312 = arith.constant 4096 : i32
      %mul3A_313 = vector.broadcast %mul3A_312 : i32 to vector<16xi32>
      %mul3A_314 = arith.muli %get3A_311, %mul3A_313 : vector<16xi32>
      %get3A_315 = arith.constant 20 : i32
      %get3A_316 = arith.index_cast %get3A_315 : i32 to index
      %get3A_317 = arith.index_cast %mul3A_28 : i32 to index
      %get3A_318 = tpu.vector_load %arg7[%get3A_316, %get3A_317] {strides = array<i32>} : memref<32x512xi32, #tpu.memory_space<vmem>>, vector<16xi32>,
      %add3A_319 = arith.addi %mul3A_314, %get3A_318 : vector<16xi32>
      %gather3A_320 = tpu.vector_load_idx %arg6[%add3A_319] : memref<81920xf32, #tpu.memory_space<vmem>>[vector<16xi32>], vector<16xf32>,
      %add3A_321 = arith.addf %add3A_307, %gather3A_320 : vector<16xf32>
      %get3A_322 = arith.constant 21 : i32
      %get3A_323 = arith.index_cast %get3A_322 : i32 to index
      %get3A_324 = arith.index_cast %mul3A_28 : i32 to index
      %get3A_325 = tpu.vector_load %arg8[%get3A_323, %get3A_324] {strides = array<i32>} : memref<32x512xi32, #tpu.memory_space<vmem>>, vector<16xi32>,
      %mul3A_326 = arith.constant 4096 : i32
      %mul3A_327 = vector.broadcast %mul3A_326 : i32 to vector<16xi32>
      %mul3A_328 = arith.muli %get3A_325, %mul3A_327 : vector<16xi32>
      %get3A_329 = arith.constant 21 : i32
      %get3A_330 = arith.index_cast %get3A_329 : i32 to index
      %get3A_331 = arith.index_cast %mul3A_28 : i32 to index
      %get3A_332 = tpu.vector_load %arg7[%get3A_330, %get3A_331] {strides = array<i32>} : memref<32x512xi32, #tpu.memory_space<vmem>>, vector<16xi32>,
      %add3A_333 = arith.addi %mul3A_328, %get3A_332 : vector<16xi32>
      %gather3A_334 = tpu.vector_load_idx %arg6[%add3A_333] : memref<81920xf32, #tpu.memory_space<vmem>>[vector<16xi32>], vector<16xf32>,
      %add3A_335 = arith.addf %add3A_321, %gather3A_334 : vector<16xf32>
      %get3A_336 = arith.constant 22 : i32
      %get3A_337 = arith.index_cast %get3A_336 : i32 to index
      %get3A_338 = arith.index_cast %mul3A_28 : i32 to index
      %get3A_339 = tpu.vector_load %arg8[%get3A_337, %get3A_338] {strides = array<i32>} : memref<32x512xi32, #tpu.memory_space<vmem>>, vector<16xi32>,
      %mul3A_340 = arith.constant 4096 : i32
      %mul3A_341 = vector.broadcast %mul3A_340 : i32 to vector<16xi32>
      %mul3A_342 = arith.muli %get3A_339, %mul3A_341 : vector<16xi32>
      %get3A_343 = arith.constant 22 : i32
      %get3A_344 = arith.index_cast %get3A_343 : i32 to index
      %get3A_345 = arith.index_cast %mul3A_28 : i32 to index
      %get3A_346 = tpu.vector_load %arg7[%get3A_344, %get3A_345] {strides = array<i32>} : memref<32x512xi32, #tpu.memory_space<vmem>>, vector<16xi32>,
      %add3A_347 = arith.addi %mul3A_342, %get3A_346 : vector<16xi32>
      %gather3A_348 = tpu.vector_load_idx %arg6[%add3A_347] : memref<81920xf32, #tpu.memory_space<vmem>>[vector<16xi32>], vector<16xf32>,
      %add3A_349 = arith.addf %add3A_335, %gather3A_348 : vector<16xf32>
      %get3A_350 = arith.constant 23 : i32
      %get3A_351 = arith.index_cast %get3A_350 : i32 to index
      %get3A_352 = arith.index_cast %mul3A_28 : i32 to index
      %get3A_353 = tpu.vector_load %arg8[%get3A_351, %get3A_352] {strides = array<i32>} : memref<32x512xi32, #tpu.memory_space<vmem>>, vector<16xi32>,
      %mul3A_354 = arith.constant 4096 : i32
      %mul3A_355 = vector.broadcast %mul3A_354 : i32 to vector<16xi32>
      %mul3A_356 = arith.muli %get3A_353, %mul3A_355 : vector<16xi32>
      %get3A_357 = arith.constant 23 : i32
      %get3A_358 = arith.index_cast %get3A_357 : i32 to index
      %get3A_359 = arith.index_cast %mul3A_28 : i32 to index
      %get3A_360 = tpu.vector_load %arg7[%get3A_358, %get3A_359] {strides = array<i32>} : memref<32x512xi32, #tpu.memory_space<vmem>>, vector<16xi32>,
      %add3A_361 = arith.addi %mul3A_356, %get3A_360 : vector<16xi32>
      %gather3A_362 = tpu.vector_load_idx %arg6[%add3A_361] : memref<81920xf32, #tpu.memory_space<vmem>>[vector<16xi32>], vector<16xf32>,
      %add3A_363 = arith.addf %add3A_349, %gather3A_362 : vector<16xf32>
      %get3A_364 = arith.constant 24 : i32
      %get3A_365 = arith.index_cast %get3A_364 : i32 to index
      %get3A_366 = arith.index_cast %mul3A_28 : i32 to index
      %get3A_367 = tpu.vector_load %arg8[%get3A_365, %get3A_366] {strides = array<i32>} : memref<32x512xi32, #tpu.memory_space<vmem>>, vector<16xi32>,
      %mul3A_368 = arith.constant 4096 : i32
      %mul3A_369 = vector.broadcast %mul3A_368 : i32 to vector<16xi32>
      %mul3A_370 = arith.muli %get3A_367, %mul3A_369 : vector<16xi32>
      %get3A_371 = arith.constant 24 : i32
      %get3A_372 = arith.index_cast %get3A_371 : i32 to index
      %get3A_373 = arith.index_cast %mul3A_28 : i32 to index
      %get3A_374 = tpu.vector_load %arg7[%get3A_372, %get3A_373] {strides = array<i32>} : memref<32x512xi32, #tpu.memory_space<vmem>>, vector<16xi32>,
      %add3A_375 = arith.addi %mul3A_370, %get3A_374 : vector<16xi32>
      %gather3A_376 = tpu.vector_load_idx %arg6[%add3A_375] : memref<81920xf32, #tpu.memory_space<vmem>>[vector<16xi32>], vector<16xf32>,
      %add3A_377 = arith.addf %add3A_363, %gather3A_376 : vector<16xf32>
      %get3A_378 = arith.constant 25 : i32
      %get3A_379 = arith.index_cast %get3A_378 : i32 to index
      %get3A_380 = arith.index_cast %mul3A_28 : i32 to index
      %get3A_381 = tpu.vector_load %arg8[%get3A_379, %get3A_380] {strides = array<i32>} : memref<32x512xi32, #tpu.memory_space<vmem>>, vector<16xi32>,
      %mul3A_382 = arith.constant 4096 : i32
      %mul3A_383 = vector.broadcast %mul3A_382 : i32 to vector<16xi32>
      %mul3A_384 = arith.muli %get3A_381, %mul3A_383 : vector<16xi32>
      %get3A_385 = arith.constant 25 : i32
      %get3A_386 = arith.index_cast %get3A_385 : i32 to index
      %get3A_387 = arith.index_cast %mul3A_28 : i32 to index
      %get3A_388 = tpu.vector_load %arg7[%get3A_386, %get3A_387] {strides = array<i32>} : memref<32x512xi32, #tpu.memory_space<vmem>>, vector<16xi32>,
      %add3A_389 = arith.addi %mul3A_384, %get3A_388 : vector<16xi32>
      %gather3A_390 = tpu.vector_load_idx %arg6[%add3A_389] : memref<81920xf32, #tpu.memory_space<vmem>>[vector<16xi32>], vector<16xf32>,
      %add3A_391 = arith.addf %add3A_377, %gather3A_390 : vector<16xf32>
      %get3A_392 = arith.constant 26 : i32
      %get3A_393 = arith.index_cast %get3A_392 : i32 to index
      %get3A_394 = arith.index_cast %mul3A_28 : i32 to index
      %get3A_395 = tpu.vector_load %arg8[%get3A_393, %get3A_394] {strides = array<i32>} : memref<32x512xi32, #tpu.memory_space<vmem>>, vector<16xi32>,
      %mul3A_396 = arith.constant 4096 : i32
      %mul3A_397 = vector.broadcast %mul3A_396 : i32 to vector<16xi32>
      %mul3A_398 = arith.muli %get3A_395, %mul3A_397 : vector<16xi32>
      %get3A_399 = arith.constant 26 : i32
      %get3A_400 = arith.index_cast %get3A_399 : i32 to index
      %get3A_401 = arith.index_cast %mul3A_28 : i32 to index
      %get3A_402 = tpu.vector_load %arg7[%get3A_400, %get3A_401] {strides = array<i32>} : memref<32x512xi32, #tpu.memory_space<vmem>>, vector<16xi32>,
      %add3A_403 = arith.addi %mul3A_398, %get3A_402 : vector<16xi32>
      %gather3A_404 = tpu.vector_load_idx %arg6[%add3A_403] : memref<81920xf32, #tpu.memory_space<vmem>>[vector<16xi32>], vector<16xf32>,
      %add3A_405 = arith.addf %add3A_391, %gather3A_404 : vector<16xf32>
      %get3A_406 = arith.constant 27 : i32
      %get3A_407 = arith.index_cast %get3A_406 : i32 to index
      %get3A_408 = arith.index_cast %mul3A_28 : i32 to index
      %get3A_409 = tpu.vector_load %arg8[%get3A_407, %get3A_408] {strides = array<i32>} : memref<32x512xi32, #tpu.memory_space<vmem>>, vector<16xi32>,
      %mul3A_410 = arith.constant 4096 : i32
      %mul3A_411 = vector.broadcast %mul3A_410 : i32 to vector<16xi32>
      %mul3A_412 = arith.muli %get3A_409, %mul3A_411 : vector<16xi32>
      %get3A_413 = arith.constant 27 : i32
      %get3A_414 = arith.index_cast %get3A_413 : i32 to index
      %get3A_415 = arith.index_cast %mul3A_28 : i32 to index
      %get3A_416 = tpu.vector_load %arg7[%get3A_414, %get3A_415] {strides = array<i32>} : memref<32x512xi32, #tpu.memory_space<vmem>>, vector<16xi32>,
      %add3A_417 = arith.addi %mul3A_412, %get3A_416 : vector<16xi32>
      %gather3A_418 = tpu.vector_load_idx %arg6[%add3A_417] : memref<81920xf32, #tpu.memory_space<vmem>>[vector<16xi32>], vector<16xf32>,
      %add3A_419 = arith.addf %add3A_405, %gather3A_418 : vector<16xf32>
      %get3A_420 = arith.constant 28 : i32
      %get3A_421 = arith.index_cast %get3A_420 : i32 to index
      %get3A_422 = arith.index_cast %mul3A_28 : i32 to index
      %get3A_423 = tpu.vector_load %arg8[%get3A_421, %get3A_422] {strides = array<i32>} : memref<32x512xi32, #tpu.memory_space<vmem>>, vector<16xi32>,
      %mul3A_424 = arith.constant 4096 : i32
      %mul3A_425 = vector.broadcast %mul3A_424 : i32 to vector<16xi32>
      %mul3A_426 = arith.muli %get3A_423, %mul3A_425 : vector<16xi32>
      %get3A_427 = arith.constant 28 : i32
      %get3A_428 = arith.index_cast %get3A_427 : i32 to index
      %get3A_429 = arith.index_cast %mul3A_28 : i32 to index
      %get3A_430 = tpu.vector_load %arg7[%get3A_428, %get3A_429] {strides = array<i32>} : memref<32x512xi32, #tpu.memory_space<vmem>>, vector<16xi32>,
      %add3A_431 = arith.addi %mul3A_426, %get3A_430 : vector<16xi32>
      %gather3A_432 = tpu.vector_load_idx %arg6[%add3A_431] : memref<81920xf32, #tpu.memory_space<vmem>>[vector<16xi32>], vector<16xf32>,
      %add3A_433 = arith.addf %add3A_419, %gather3A_432 : vector<16xf32>
      %get3A_434 = arith.constant 29 : i32
      %get3A_435 = arith.index_cast %get3A_434 : i32 to index
      %get3A_436 = arith.index_cast %mul3A_28 : i32 to index
      %get3A_437 = tpu.vector_load %arg8[%get3A_435, %get3A_436] {strides = array<i32>} : memref<32x512xi32, #tpu.memory_space<vmem>>, vector<16xi32>,
      %mul3A_438 = arith.constant 4096 : i32
      %mul3A_439 = vector.broadcast %mul3A_438 : i32 to vector<16xi32>
      %mul3A_440 = arith.muli %get3A_437, %mul3A_439 : vector<16xi32>
      %get3A_441 = arith.constant 29 : i32
      %get3A_442 = arith.index_cast %get3A_441 : i32 to index
      %get3A_443 = arith.index_cast %mul3A_28 : i32 to index
      %get3A_444 = tpu.vector_load %arg7[%get3A_442, %get3A_443] {strides = array<i32>} : memref<32x512xi32, #tpu.memory_space<vmem>>, vector<16xi32>,
      %add3A_445 = arith.addi %mul3A_440, %get3A_444 : vector<16xi32>
      %gather3A_446 = tpu.vector_load_idx %arg6[%add3A_445] : memref<81920xf32, #tpu.memory_space<vmem>>[vector<16xi32>], vector<16xf32>,
      %add3A_447 = arith.addf %add3A_433, %gather3A_446 : vector<16xf32>
      %get3A_448 = arith.constant 30 : i32
      %get3A_449 = arith.index_cast %get3A_448 : i32 to index
      %get3A_450 = arith.index_cast %mul3A_28 : i32 to index
      %get3A_451 = tpu.vector_load %arg8[%get3A_449, %get3A_450] {strides = array<i32>} : memref<32x512xi32, #tpu.memory_space<vmem>>, vector<16xi32>,
      %mul3A_452 = arith.constant 4096 : i32
      %mul3A_453 = vector.broadcast %mul3A_452 : i32 to vector<16xi32>
      %mul3A_454 = arith.muli %get3A_451, %mul3A_453 : vector<16xi32>
      %get3A_455 = arith.constant 30 : i32
      %get3A_456 = arith.index_cast %get3A_455 : i32 to index
      %get3A_457 = arith.index_cast %mul3A_28 : i32 to index
      %get3A_458 = tpu.vector_load %arg7[%get3A_456, %get3A_457] {strides = array<i32>} : memref<32x512xi32, #tpu.memory_space<vmem>>, vector<16xi32>,
      %add3A_459 = arith.addi %mul3A_454, %get3A_458 : vector<16xi32>
      %gather3A_460 = tpu.vector_load_idx %arg6[%add3A_459] : memref<81920xf32, #tpu.memory_space<vmem>>[vector<16xi32>], vector<16xf32>,
      %add3A_461 = arith.addf %add3A_447, %gather3A_460 : vector<16xf32>
      %get3A_462 = arith.constant 31 : i32
      %get3A_463 = arith.index_cast %get3A_462 : i32 to index
      %get3A_464 = arith.index_cast %mul3A_28 : i32 to index
      %get3A_465 = tpu.vector_load %arg8[%get3A_463, %get3A_464] {strides = array<i32>} : memref<32x512xi32, #tpu.memory_space<vmem>>, vector<16xi32>,
      %mul3A_466 = arith.constant 4096 : i32
      %mul3A_467 = vector.broadcast %mul3A_466 : i32 to vector<16xi32>
      %mul3A_468 = arith.muli %get3A_465, %mul3A_467 : vector<16xi32>
      %get3A_469 = arith.constant 31 : i32
      %get3A_470 = arith.index_cast %get3A_469 : i32 to index
      %get3A_471 = arith.index_cast %mul3A_28 : i32 to index
      %get3A_472 = tpu.vector_load %arg7[%get3A_470, %get3A_471] {strides = array<i32>} : memref<32x512xi32, #tpu.memory_space<vmem>>, vector<16xi32>,
      %add3A_473 = arith.addi %mul3A_468, %get3A_472 : vector<16xi32>
      %gather3A_474 = tpu.vector_load_idx %arg6[%add3A_473] : memref<81920xf32, #tpu.memory_space<vmem>>[vector<16xi32>], vector<16xf32>,
      %add3A_475 = arith.addf %add3A_461, %gather3A_474 : vector<16xf32>
      %mul3A_476 = arith.constant 3.125000e-02 : f32
      %mul3A_477 = vector.broadcast %mul3A_476 : f32 to vector<16xf32>
      %mul3A_478 = arith.mulf %add3A_475, %mul3A_477 : vector<16xf32>
      %swap3A = arith.index_cast %mul3A_28 : i32 to index
      %swap3A_479 = tpu.vector_load %arg9[%swap3A] {strides = array<i32>} : memref<512xf32, #tpu.memory_space<vmem>>, vector<16xf32>,
      tpu.vector_store %arg9[%swap3A], %mul3A_478 {strides = array<i32>} : memref<512xf32, #tpu.memory_space<vmem>>, vector<16xf32>,
    }
    %scan3A_25 = arith.constant 32 : i32
    "tpu.region"() ({
      %run_scoped3A = tpu.sem_alloc : memref<!tpu.dma_semaphore, #tpu.memory_space<semaphore_mem>>
      %dma_start3A_26 = tpu.memref_slice %arg5[%mul3A_2] : memref<16384xf32, #tpu.memory_space<hbm>> -> memref<512xf32, #tpu.memory_space<hbm>>
      %dma_start3A_27 = tpu.memref_slice %arg5[%mul3A_2] : memref<16384xf32, #tpu.memory_space<hbm>> -> memref<512xf32, #tpu.memory_space<hbm>>
      tpu.enqueue_dma source(%arg9 : memref<512xf32, #tpu.memory_space<vmem>>) target(%dma_start3A_27 : memref<512xf32, #tpu.memory_space<hbm>>) target_semaphore(%run_scoped3A : memref<!tpu.dma_semaphore, #tpu.memory_space<semaphore_mem>>)
      %dma_wait3A_28 = tpu.memref_slice %arg5[%mul3A_2] : memref<16384xf32, #tpu.memory_space<hbm>> -> memref<512xf32, #tpu.memory_space<hbm>>
      %dma_wait3A_29 = tpu.memref_slice %arg5[%mul3A_2] : memref<16384xf32, #tpu.memory_space<hbm>> -> memref<512xf32, #tpu.memory_space<hbm>>
      tpu.wait_dma2 semaphore(%run_scoped3A : memref<!tpu.dma_semaphore, #tpu.memory_space<semaphore_mem>>) src(%arg9 : memref<512xf32, #tpu.memory_space<vmem>>) dst(%dma_wait3A_29 : memref<512xf32, #tpu.memory_space<hbm>>)
      tpu.yield
    }) : () -> ()
    return
  }
}

module attributes {stable_mosaic.version = 14 : i64} {
  func.func @_tc_prep(%arg0: memref<20x4096xf32, #tpu.memory_space<vmem>>, %arg1: memref<81920xf32, #tpu.memory_space<vmem>>) attributes {dimension_semantics = [], scalar_prefetch = 0 : i64, scratch_operands = 0 : i64, tpu.core_type = #tpu.core_type<tc>} {
    %get3A = arith.constant 0 : index
    %get3A_0 = arith.constant 0 : index
    %get3A_1 = vector.load %arg0[%get3A, %get3A_0] : memref<20x4096xf32, #tpu.memory_space<vmem>>, vector<20x4096xf32>
    %reduce_max3A = arith.constant dense<0xFF800000> : vector<4096xf32>
    %reduce_max3A_2 = vector.multi_reduction <maximumf>, %get3A_1, %reduce_max3A [0] : vector<20x4096xf32> to vector<4096xf32>
    %broadcast_in_dim3A = vector.shape_cast %reduce_max3A_2 : vector<4096xf32> to vector<1x4096xf32>
    %sub3A = vector.broadcast %broadcast_in_dim3A : vector<1x4096xf32> to vector<20x4096xf32>
    %sub3A_3 = arith.subf %get3A_1, %sub3A : vector<20x4096xf32>
    %exp3A = math.exp %sub3A_3 : vector<20x4096xf32>
    %reduce_sum3A = arith.constant dense<0.000000e+00> : vector<4096xf32>
    %reduce_sum3A_4 = vector.multi_reduction <add>, %exp3A, %reduce_sum3A [0] : vector<20x4096xf32> to vector<4096xf32>
    %broadcast_in_dim3A_5 = vector.shape_cast %reduce_sum3A_4 : vector<4096xf32> to vector<1x4096xf32>
    %log3A = math.log %broadcast_in_dim3A_5 : vector<1x4096xf32>
    %sub3A_6 = vector.broadcast %log3A : vector<1x4096xf32> to vector<20x4096xf32>
    %sub3A_7 = arith.subf %sub3A_3, %sub3A_6 : vector<20x4096xf32>
    %reshape3A = vector.shape_cast %sub3A_7 : vector<20x4096xf32> to vector<81920xf32>
    %swap3A = arith.constant 0 : index
    %swap3A_8 = vector.load %arg1[%swap3A] : memref<81920xf32, #tpu.memory_space<vmem>>, vector<81920xf32>
    tpu.vector_store %arg1[%swap3A], %reshape3A {strides = array<i32>} : memref<81920xf32, #tpu.memory_space<vmem>>, vector<81920xf32>,
    return
  }
}

</mosaic_0001>

<sc_bundles>
// kernel: kernel.4.cloned.1.call-start
scs
__scs_entry_jumppad:
0x0: {  	(pc) =	sbr.rel $0x88, $3  }
0x1: {  	(tag) =	ssettag $0x0;
	lr =	simm.s32 $0x1  }
0x2: {  	[smem:$0x3F9E] =	sst lr;
	_ =	strace $0xD0000000  }
0x3: {  	_ = 	snop  }
0x4: {  	_ = 	snop  }
0x5: {  	_ = 	snop  }
0x6: {  	_ = 	snop  }
0x7: {  	_ = 	snop  }
__scs_overlays_trampoline_lowered:
0x8: {  	[smem:$0x3FAD] =	sst s0  }
0x9: {  	[smem:$0x3FAE] =	sst s1  }
0xa: {  	[smem:$0x3FAF] =	sst s2  }
0xb: {  	[smem:$0x3FB0] =	sst s3  }
0xc: {  	[smem:$0x3FB1] =	sst s4  }
0xd: {  	[smem:$0x3FB2] =	sst s5  }
0xe: {  	[smem:$0x3FB3] =	sst s6  }
0xf: {  	[smem:$0x3FB4] =	sst s7  }
0x10: {  	[smem:$0x3FB5] =	sst s8  }
0x11: {  	[smem:$0x3FB6] =	sst s9;
	s0 =	simm.s32 @!p0 $0x0  }
0x12: {  	s1 =	sld [smem:$0x3F9C];
	s0 =	simm.s32 @p0 $0x1  }
0x13: {  	[smem:$0x3FB7] =	sst s0;
	s0 =	simm.s32 @!p1 $0x0  }
0x14: {  	s2 =	sld [smem:$0x3F9B];
	s0 =	simm.s32 @p1 $0x1  }
0x15: {  	[smem:$0x3FB8] =	sst s0;
	s0 =	simm.s32 @!p2 $0x0  }
0x16: {  	s3 =	sld [smem:$0x3FDB];
	s0 =	simm.s32 @p2 $0x1  }
0x17: {  	s4 =	simm.s32 $0x1BF5;
	[smem:$0x3FBA] =	sst s0  }
0x18: {  	s0 =	sld [smem:$0x3F9D];
	_ =	swait.ge [sflag:s4], $0x0  }
0x19: {  	s7 =	sld [smem:$0x3F9E]  }
0x1a: {  	s8 =	sadd.s32 $0xFFFFE003, lr  }
0x1b: {  	s9 =	sadd.s32 $0xFFFFFEF7, lr;
	s5 =	simm.s32 $0xFFFFFFFF;
	p2 =	slt.u32 s8, $0xFFFFF086  }
0x1c: {  	p1 =	slt.u32 s9, $0xF7A;
	s5 =	simm.s32 @!p2 $0x0  }
0x1d: {  	s5 =	simm.s32 @p1 $0x1;
	p0 =	seq.s32 s7, s2  }
0x1e: {  	s7 =	smul.u32 @!p0 $0xF7A, s2;
	p2 =	seq.s32 @!p0 s5, $0x0  }
0x1f: {  	s9 =	smul.u32 $0xF7A, s1;
	s8 =	simm.s32 @!p0 $0x1BF5;
	p2 =	por !p2, p0  }
0x20: {  	[sflag:s8] =	ssyncset.s32 @!p0 $0xFFFFF086;
	s6 =	sadd.s32 @!p0 s3, s7;
	s7 =	simm.s32 @!p0 $0x108  }
0x21: {  	s3 =	sadd.s32 s3, s9;
	s6 =	sadd.s32 @!p0 $0x88, s6;
	s7 =	simm.s32 @p2 $0x1082  }
0x22: {  	[simem:s7], [sflag:s8] =	dma.local @!p0 [hbm:s6], $0xF7A  }
0x23: {  	s9 =	sor.u32 $0xD0000000, s2;
	s6 =	simm.s32 $0x108;
	_ =	swait.ge @!p0 [sflag:s8], $0x0  }
0x24: {  	s3 =	sadd.s32 $0x88, s3;
	s6 =	simm.s32 @!p1 $0x1082;
	[sflag:s4] =	ssyncset.s32 $0xFFFFF086  }
0x25: {  	[simem:s6], [sflag:s4] =	dma.local [hbm:s3], $0xF7A  }
0x26: {  	[smem:$0x3F9E] =	sst s1;
	(tag) =	ssettag s2;
	_ =	strace s9  }
0x27: {  	s1 =	sld [smem:$0x3FAE]  }
0x28: {  	s2 =	sld [smem:$0x3FAF]  }
0x29: {  	s4 =	sld [smem:$0x3FB1]  }
0x2a: {  	p0 =	seq.s32 s5, $0x0;
	s5 =	sld [smem:$0x3FB2]  }
0x2b: {  	s6 =	sld [smem:$0x3FB3]  }
0x2c: {  	s7 =	sld [smem:$0x3FB4]  }
0x2d: {  	s3 =	simm.s32 $0x108;
	s8 =	sld [smem:$0x3FB5]  }
0x2e: {  	s3 =	simm.s32 @!p0 $0x1082;
	s9 =	sld [smem:$0x3FB6]  }
0x2f: {  	lr =	sadd.s32 s0, s3;
	s0 =	sld [smem:$0x3FAD]  }
0x30: {  	s3 =	sld [smem:$0x3FB0]  }
0x31: {  	[smem:$0x3FB9] =	sst s10  }
0x32: {  	s10 =	sld [smem:$0x3FB7];
	_ =	sdelay $0x3  }
0x33: {  	p0 =	seq.s32 s10, $0x1;
	s10 =	sld [smem:$0x3FB9];
	_ =	sdelay $0x3  }
0x34: {  	[smem:$0x3FB9] =	sst s10  }
0x35: {  	s10 =	sld [smem:$0x3FB8];
	_ =	sdelay $0x3  }
0x36: {  	p1 =	seq.s32 s10, $0x1;
	s10 =	sld [smem:$0x3FB9];
	_ =	sdelay $0x3  }
0x37: {  	[smem:$0x3FB9] =	sst s10  }
0x38: {  	s10 =	sld [smem:$0x3FBA]  }
0x39: {  	_ = 	snop;
	(pc) =	sbr.ind lr, $3  }
0x3a: {  	_ = 	snop  }
0x3b: {  	_ = 	snop  }
0x3c: {  	p2 =	seq.s32 s10, $0x1;
	s10 =	sld [smem:$0x3FB9]  }
0x3d: {  	_ =	shalt  }
0x3e: {  	_ =	shalt  }
0x3f: {  	_ =	shalt  }
0x40: {  	_ =	shalt  }
0x41: {  	_ =	shalt  }
0x42: {  	_ =	shalt  }
0x43: {  	_ =	shalt  }
0x44: {  	_ =	shalt  }
0x45: {  	_ =	shalt  }
0x46: {  	_ =	shalt  }
0x47: {  	_ =	shalt  }
0x48: {  	_ =	shalt  }
0x49: {  	_ =	shalt  }
0x4a: {  	_ =	shalt  }
0x4b: {  	_ =	shalt  }
0x4c: {  	_ =	shalt  }
0x4d: {  	_ =	shalt  }
0x4e: {  	_ =	shalt  }
0x4f: {  	_ =	shalt  }
0x50: {  	_ =	shalt  }
0x51: {  	_ =	shalt  }
0x52: {  	_ =	shalt  }
0x53: {  	_ =	shalt  }
0x54: {  	_ =	shalt  }
0x55: {  	_ =	shalt  }
0x56: {  	_ =	shalt  }
0x57: {  	_ =	shalt  }
0x58: {  	_ =	shalt  }
0x59: {  	_ =	shalt  }
0x5a: {  	_ =	shalt  }
0x5b: {  	_ =	shalt  }
0x5c: {  	_ =	shalt  }
0x5d: {  	_ =	shalt  }
0x5e: {  	_ =	shalt  }
0x5f: {  	_ =	shalt  }
0x60: {  	_ =	shalt  }
0x61: {  	_ =	shalt  }
0x62: {  	_ =	shalt  }
0x63: {  	_ =	shalt  }
0x64: {  	_ =	shalt  }
0x65: {  	_ =	shalt  }
0x66: {  	_ =	shalt  }
0x67: {  	_ =	shalt  }
0x68: {  	_ =	shalt  }
0x69: {  	_ =	shalt  }
0x6a: {  	_ =	shalt  }
0x6b: {  	_ =	shalt  }
0x6c: {  	_ =	shalt  }
0x6d: {  	_ =	shalt  }
0x6e: {  	_ =	shalt  }
0x6f: {  	_ =	shalt  }
0x70: {  	_ =	shalt  }
0x71: {  	_ =	shalt  }
0x72: {  	_ =	shalt  }
0x73: {  	_ =	shalt  }
0x74: {  	_ =	shalt  }
0x75: {  	_ =	shalt  }
0x76: {  	_ =	shalt  }
0x77: {  	_ =	shalt  }
0x78: {  	_ =	shalt  }
0x79: {  	_ =	shalt  }
0x7a: {  	_ =	shalt  }
0x7b: {  	_ =	shalt  }
0x7c: {  	_ =	shalt  }
0x7d: {  	_ =	shalt  }
0x7e: {  	_ =	shalt  }
0x7f: {  	_ =	shalt  }
0x80: {  	_ =	shalt  }
0x81: {  	_ =	shalt  }
0x82: {  	_ =	shalt  }
0x83: {  	_ =	shalt  }
0x84: {  	_ =	shalt  }
0x85: {  	_ =	shalt  }
0x86: {  	_ =	shalt  }
0x87: {  	_ =	shalt  }
.Lfunc_end0:
.L_simem_size_0:
called_computation_lowered:
.L_overlay_start_0:
0x88: {  	s2 =	sld [smem:$0x3FD9]  }
0x89: {  	s3 =	sld [smem:$0x3FFE];
	_ =	sdelay $0x1  }
0x8a: {  	s1 =	srdreg.scid  }
0x8b: {  	s0 =	sand.u32 $0x1, s1  }
0x8c: {  	s17 =	sshll.u32 s0, $0xA;
	s2 =	sadd.s32 s3, s2  }
0x8d: {  	s2 =	sadd.s32 s2, s17  }
0x8e: {  	[smem:$0x3FC5] =	sst s2  }
0x8f: {  	_ = 	snop  }
0x90: {  	s2 =	sld [smem:$0x3FC8]  }
0x91: {  	s18 =	sld [smem:$0x3FC7]  }
0x92: {  	s4 =	sld [smem:$0x3FD0];
	(tm) =	ssettm $0x1  }
0x93: {  	s5 =	sld [smem:$0x3FFB];
	_ =	sdelay $0x3  }
0x94: {  	_ =	strace s5  }
0x95: {  	s5 =	sld [smem:$0x3FFC];
	_ =	sdelay $0x3  }
0x96: {  	_ =	strace s5  }
0x97: {  	s5 =	sld [smem:$0x3FFD];
	_ =	sdelay $0x3  }
0x98: {  	_ =	strace s5  }
0x99: {  	_ =	strace $0x8FFFFFFF  }
0x9a: {  	s19 =	sld [smem:$0x3FDB];
	_ =	sdelay $0x1  }
0x9b: {  	s6 =	simm.s32 $_scs_section_size  }
0x9c: {  	s7 =	simm.s32 $_size__tile_overlayer_lowered;
	s8 =	simm.s32 $_tile_overlayer_lowered  }
0x9d: {  	s22 =	simm.s32 $0x1BFF;
	s21 =	sshll.u32 s8, $0x1;
	s5 =	sadd.s32 s6, s19  }
0x9e: {  	s9 =	simm.s32 $0x0;
	s20 =	sshll.u32 s7, $0x1;
	s7 =	sadd.s32 s21, s5  }
0x9f: {  	[timem:s9], [sflag:s22] =	dma.local [hbm:s7], s20  }
0xa0: {  	_ =	swait.ge [sflag:s22], s20  }
0xa1: {  	s6 =	ssub.s32 $0x0, s20;
	[sflag:s22] =	ssyncset.done $0x0  }
0xa2: {  	[sflag:s22] =	ssyncadd.s32 s6;
	_ =	sdelay $0x1  }
0xa3: {  	s23 =	simm.s32 $0x1B8B  }
0xa4: {  	_ =	swait.ge [sflag:s23], $0x1  }
0xa5: {  	[sflag:s23] =	ssyncset.done $0x0  }
0xa6: {  	s25 =	simm.s32 $0x1B8E;
	s24 =	sld [smem:$0x3FFE];
	[sflag:s23] =	ssyncadd.s32 $0xFFFFFFFF  }
0xa7: {  	s26 =	simm.s32 $execute0_lowered;
	[smem:$0x3FD2] =	sst s25  }
0xa8: {  	s7 =	sshll.u32 s26, $0x1;
	_ =	strace $0x80000046;
	[dreg:$0x1] =	wrdreg $0xFFFFFFFF  }
0xa9: {  	s28 =	simm.s32 $_size_execute0_lowered;
	s5 =	sadd.s32 s5, s7;
	[dreg:$0x0] =	wrdreg $0x0  }
0xaa: {  	s7 =	sshll.u32 s28, $0x1;
	[dreg:$0x2] =	wrdreg s5  }
0xab: {  	[dreg:$0x3] =	wrdreg s7  }
0xac: {  	[dreg:$0x4] =	wrdreg $0xC0  }
0xad: {  	_ =	task [dreg:s9], $0x5FFFF  }
0xae: {  	[dreg:$0x1] =	wrdreg $0xFFFFFFFF  }
0xaf: {  	[dreg:$0x0] =	wrdreg $0x60  }
0xb0: {  	[dreg:$0x2] =	wrdreg s24  }
0xb1: {  	[dreg:$0x3] =	wrdreg s2  }
0xb2: {  	[dreg:$0x4] =	wrdreg s18  }
0xb3: {  	[dreg:$0x5] =	wrdreg s4  }
0xb4: {  	[dreg:$0x6] =	wrdreg $0x1C2000  }
0xb5: {  	[dreg:$0x7] =	wrdreg $0x9  }
0xb6: {  	_ =	task.clear_ibuf [dreg:s9], $0x8FFFF;
	_ =	strace $0x90000046  }
0xb7: {  	s29 =	simm.s32 $0x9;
	_ =	strace $0x80000048  }
0xb8: {  	_ =	swait.ge [sflag:s29], $0x1  }
0xb9: {  	[sflag:s29] =	ssyncadd.s32 $0xFFFFFFFF  }
0xba: {  	_ =	strace $0x90000048  }
0xbb: {  	_ =	sfence  }
0xbc: {  	s30 =	sld [smem:$0x0];
	_ =	sdelay $0x2  }
0xbd: {  	s31 =	sshll.u32 s1, $0xD;
	s1 =	sshrl.u32 s1, $0x2  }
0xbe: {  	s3 =	sand.u32 $0x4000, s31;
	s1 =	sadd.s32 s1, s30  }
0xbf: {  	s0 =	sor.u32 s3, s0;
	s1 =	sshll.u32 s1, $0x11  }
0xc0: {  	s0 =	sor.u32 s1, s0  }
0xc1: {  	s0 =	sadd.s32 $0x8F2B, s0  }
0xc2: {  	[sflag:s0] =	ssyncadd.remote.s32 $0x1  }
0xc3: {  	_ =	sfence.sel $0xFFFF  }
0xc4: {  	[dreg:$0x0] =	wrdreg $0xFFFFFFFF;
	(pc) =	sbr.abs _section_cstart, $3  }
0xc5: {  	[dreg:$0x1] =	wrdreg $0xFFFFFFFF  }
0xc6: {  	_ =	task.clear_ibuf [dreg:s9], $0x2FFFF;
	_ =	strace $0x9FFFFFFF  }
0xc7: {  	(tm) =	ssettm $0x7FFFFFFF  }
tec
execute0_lowered:
.L_overlay_start_1:
0x0: {  	(tag) =	ssettag $0x1  }
0x1: {  	s0 =	rddreg [dreg:$0x0]  }
0x2: {  	s4 =	rddreg [dreg:$0x1]  }
0x3: {  	s5 =	rddreg [dreg:$0x2]  }
0x4: {  	s8 =	rddreg [dreg:$0x3]  }
0x5: {  	s2 =	rddreg [dreg:$0x4];
	s3 =	simm.s32 $0x0  }
0x6: {  	s1 =	stileid.u32;
	s6 =	srdreg.scid;
	s13 =	simm.s32 $0x18000  }
0x7: {  	s15 =	simm.s32 $0x3;
	s16 =	simm.s32 $0x1;
	s17 =	simm.s32 $0x2  }
0x8: {  	s18 =	simm.s32 $0x1C000;
	s19 =	simm.s32 $0x0;
	[smem:$0x7FF] =	sst s3  }
0x9: {  	s7 =	smul.u32 $0x1400, s1;
	s6 =	sand.u32 $0x1, s6;
	s10 =	sshll.u32 s1, $0xA  }
0xa: {  	s30 =	sshll.u32 s1, $0x6;
	_ =	strace $0x80000047;
	s9 =	ssub.s32 $0x2, s6  }
0xb: {  	s6 =	sshll.u32 s6, $0x9;
	s11 =	sshrl.u32 s7, $0x3;
	s12 =	sshrl.u32 s9, $0x1  }
0xc: {  	s10 =	sor.u32 s6, s10;
	s14 =	sadd.s32 s7, s2;
	s7 =	sor.u32 $0x1C03, s30  }
0xd: {  	s0 =	sadd.s32 s11, s0;
	s9 =	ssub.s32 s9, s12;
	s4 =	sadd.s32 s4, s10  }
0xe: {  	s5 =	sadd.s32 s5, s10;
	s31 =	sshrl.u32 s10, $0x3;
	s10 =	simm.s32 $0x1000  }
0xf: {  	s11 =	simm.s32 $0x20000;
	s12 =	simm.s32 $0x14000;
	s14 =	sshrl.u32 s14, $0x3  }
0x10: {  	s6 =	sadd.s32 $0x800, s0;
	s8 =	sadd.s32 s8, s31;
	s9 =	smax.u32 s9, $0x1  }
.LBB2_1:
0x11: {  	[tilespmem:s12], [sflag:$0x1] =	stream.strided.gather [hbm4b:s4+s10], $0x4000, s11, s10, $0x38;
	[tilespmem:$0x1D600] =	vst v63  }
0x12: {  	_ = 	snop  }
0x13: {  	[tilespmem:s13], [sflag:$0x2] =	stream.strided.gather [hbm4b:s5+s10], $0x4000, s11, s10, $0x38;
	[tilespmem:$0x1D600] =	vst v63  }
0x14: {  	[spmem:s14], [sflag:s7] =	dma.local [hbm:s6], $0x280  }
0x15: {  	_ =	swait.ge [sflag:s15], $0x280  }
0x16: {  	[sflag:s15] =	ssyncset.done $0x0  }
0x17: {  	[sflag:s15] =	ssyncadd.s32 $0xFFFFFD80  }
0x18: {  	[bflag:$0x0] =	sbarrier.arrive $0xFFFF  }
0x19: {  	[tilespmem:s3], [sflag:$0x3] =	stream.linear.gather [spmem:s2], $0x14000, $0x38;
	[tilespmem:$0x1D600] =	vst v63  }
0x1a: {  	_ =	swait.ge [sflag:s15], $0x14000  }
0x1b: {  	[sflag:s15] =	ssyncset.done $0x0  }
0x1c: {  	[sflag:s15] =	ssyncadd.s32 $0xFFFEC000  }
0x1d: {  	_ =	swait.ge [sflag:s16], $0x4000  }
0x1e: {  	[sflag:s16] =	ssyncset.done $0x0  }
0x1f: {  	[sflag:s16] =	ssyncadd.s32 $0xFFFFC000  }
0x20: {  	_ =	swait.ge [sflag:s17], $0x4000  }
0x21: {  	s25 =	sor.u32 s3, s3;
	s0 =	sand.u32 $0x70, s3;
	[sflag:s17] =	ssyncset.done $0x0  }
0x22: {  	s21 =	sand.u32 $0xC00, s3;
	s20 =	sor.u32 $0x3380, s25;
	[sflag:s17] =	ssyncadd.s32 $0xFFFFC000  }
0x23: {  	s21 =	sor.u32 s0, s21;
	v0 =	vld [tilespmem:s20+$0x14000]  }
0x24: {  	s22 =	sand.u32 $0xFFFFFC00, s3;
	v1 =	vld [tilespmem:s21+$0x17300]  }
0x25: {  	s26 =	sadd.s32 $0x0, s22;
	v2 =	vld [tilespmem:s21+$0x17280]  }
0x26: {  	s22 =	sor.u32 $0x3180, s26;
	v3 =	vld [tilespmem:s21+$0x17200]  }
0x27: {  	v4 =	vld [tilespmem:s22+$0x14000]  }
0x28: {  	v5 =	vld [tilespmem:s21+$0x17100]  }
0x29: {  	v6 =	vld [tilespmem:s21+$0x17080]  }
0x2a: {  	s23 =	sor.u32 $0x2380, s25;
	v7 =	vld [tilespmem:s21+$0x17000]  }
0x2b: {  	v8 =	vld [tilespmem:s23+$0x14000]  }
0x2c: {  	v9 =	vld [tilespmem:s21+$0x16300]  }
0x2d: {  	v10 =	vld [tilespmem:s21+$0x16280]  }
0x2e: {  	s24 =	sor.u32 $0x2180, s26;
	v11 =	vld [tilespmem:s21+$0x16200]  }
0x2f: {  	v12 =	vld [tilespmem:s24+$0x14000]  }
0x30: {  	v13 =	vld [tilespmem:s21+$0x16100]  }
0x31: {  	v14 =	vld [tilespmem:s21+$0x16080]  }
0x32: {  	s0 =	sor.u32 $0x1380, s25;
	v15 =	vld [tilespmem:s21+$0x16000]  }
0x33: {  	v16 =	vld [tilespmem:s0+$0x14000]  }
0x34: {  	v17 =	vld [tilespmem:s21+$0x15300]  }
0x35: {  	v18 =	vld [tilespmem:s21+$0x15280]  }
0x36: {  	s28 =	sor.u32 $0x1180, s26;
	v19 =	vld [tilespmem:s21+$0x15200]  }
0x37: {  	v20 =	vld [tilespmem:s28+$0x14000]  }
0x38: {  	v21 =	vld [tilespmem:s21+$0x15100]  }
0x39: {  	v22 =	vld [tilespmem:s21+$0x15080]  }
0x3a: {  	s25 =	sor.u32 $0x380, s25;
	v23 =	vld [tilespmem:s21+$0x15000]  }
0x3b: {  	v24 =	vld [tilespmem:s25+$0x14000]  }
0x3c: {  	v25 =	vld [tilespmem:s21+$0x14300]  }
0x3d: {  	v26 =	vld [tilespmem:s21+$0x14280]  }
0x3e: {  	v27 =	vld [tilespmem:s21+$0x18000]  }
0x3f: {  	v28 =	vld [tilespmem:s21+$0x14000]  }
0x40: {  	v29 =	vld [tilespmem:s21+$0x18080]  }
0x41: {  	v30 =	vld [tilespmem:s21+$0x14080]  }
0x42: {  	v31 =	vld [tilespmem:s21+$0x18100]  }
0x43: {  	s26 =	sor.u32 $0x180, s26;
	v32 =	vld [tilespmem:s21+$0x14100];
	v27 =	vshll.u32 v27, $0xC  }
0x44: {  	v48 =	vld [tilespmem:s26+$0x18000];
	v27 =	vadd.s32 v28, v27  }
0x45: {  	v33 =	vld [tilespmem:s26+$0x14000];
	v29 =	vshll.u32 v29, $0xC  }
0x46: {  	v49 =	vld [tilespmem:s21+$0x18200];
	v29 =	vadd.s32 v30, v29  }
0x47: {  	v34 =	vld [tilespmem:s21+$0x14200];
	v31 =	vshll.u32 v31, $0xC  }
0x48: {  	v50 =	vld [tilespmem:s21+$0x18280];
	v31 =	vadd.s32 v32, v31  }
0x49: {  	v28 =	vshll.u32 v48, $0xC;
	v27 =	vld.idx.msk [tilespmem:v27+s3+$0x0], $0xffff  }
0x4a: {  	v51 =	vld [tilespmem:s21+$0x18300];
	v28 =	vadd.s32 v33, v28  }
0x4b: {  	v30 =	vshll.u32 v49, $0xC;
	v29 =	vld.idx.msk [tilespmem:v29+s3+$0x0], $0xffff  }
0x4c: {  	v52 =	vld [tilespmem:s25+$0x18000];
	v30 =	vadd.s32 v34, v30  }
0x4d: {  	v32 =	vshll.u32 v50, $0xC;
	v31 =	vld.idx.msk [tilespmem:v31+s3+$0x0], $0xffff  }
0x4e: {  	v53 =	vld [tilespmem:s21+$0x19000];
	v26 =	vadd.s32 v26, v32;
	v27 =	vadd.f32 $0.0e+00, v27  }
0x4f: {  	v33 =	vshll.u32 v51, $0xC;
	v28 =	vld.idx.msk [tilespmem:v28+s3+$0x0], $0xffff  }
0x50: {  	v54 =	vld [tilespmem:s21+$0x19080];
	v25 =	vadd.s32 v25, v33;
	v27 =	vadd.f32 v29, v27  }
0x51: {  	v56 =	vshll.u32 v52, $0xC;
	v55 =	vld.idx.msk [tilespmem:v30+s3+$0x0], $0xffff  }
0x52: {  	v57 =	vld [tilespmem:s21+$0x19100];
	v24 =	vadd.s32 v24, v56;
	v27 =	vadd.f32 v31, v27  }
0x53: {  	v58 =	vshll.u32 v53, $0xC;
	v26 =	vld.idx.msk [tilespmem:v26+s3+$0x0], $0xffff  }
0x54: {  	v59 =	vld [tilespmem:s28+$0x18000];
	v23 =	vadd.s32 v23, v58;
	v27 =	vadd.f32 v28, v27  }
0x55: {  	v60 =	vshll.u32 v54, $0xC;
	v25 =	vld.idx.msk [tilespmem:v25+s3+$0x0], $0xffff  }
0x56: {  	v61 =	vld [tilespmem:s21+$0x19200];
	v22 =	vadd.s32 v22, v60;
	v27 =	vadd.f32 v55, v27  }
0x57: {  	v62 =	vshll.u32 v57, $0xC;
	v24 =	vld.idx.msk [tilespmem:v24+s3+$0x0], $0xffff  }
0x58: {  	v63 =	vld [tilespmem:s21+$0x19280];
	v21 =	vadd.s32 v21, v62;
	v26 =	vadd.f32 v26, v27  }
0x59: {  	v23 =	vld.idx.msk [tilespmem:v23+s3+$0x0], $0xffff;
	v27 =	vshll.u32 v59, $0xC  }
0x5a: {  	v20 =	vadd.s32 v20, v27;
	v27 =	vld [tilespmem:s21+$0x19300];
	v25 =	vadd.f32 v25, v26  }
0x5b: {  	v22 =	vld.idx.msk [tilespmem:v22+s3+$0x0], $0xffff;
	v26 =	vshll.u32 v61, $0xC  }
0x5c: {  	v19 =	vadd.s32 v19, v26;
	v26 =	vld [tilespmem:s0+$0x18000];
	v24 =	vadd.f32 v24, v25  }
0x5d: {  	v21 =	vld.idx.msk [tilespmem:v21+s3+$0x0], $0xffff;
	v25 =	vshll.u32 v63, $0xC  }
0x5e: {  	v18 =	vadd.s32 v18, v25;
	v25 =	vld [tilespmem:s21+$0x1A000];
	v23 =	vadd.f32 v23, v24  }
0x5f: {  	v20 =	vld.idx.msk [tilespmem:v20+s3+$0x0], $0xffff;
	v24 =	vshll.u32 v27, $0xC  }
0x60: {  	v17 =	vadd.s32 v17, v24;
	v24 =	vld [tilespmem:s21+$0x1A080];
	v22 =	vadd.f32 v22, v23  }
0x61: {  	v19 =	vld.idx.msk [tilespmem:v19+s3+$0x0], $0xffff;
	v23 =	vshll.u32 v26, $0xC  }
0x62: {  	v16 =	vadd.s32 v16, v23;
	v23 =	vld [tilespmem:s21+$0x1A100];
	v21 =	vadd.f32 v21, v22  }
0x63: {  	v18 =	vld.idx.msk [tilespmem:v18+s3+$0x0], $0xffff;
	v22 =	vshll.u32 v25, $0xC  }
0x64: {  	v15 =	vadd.s32 v15, v22;
	v22 =	vld [tilespmem:s24+$0x18000];
	v20 =	vadd.f32 v20, v21  }
0x65: {  	v17 =	vld.idx.msk [tilespmem:v17+s3+$0x0], $0xffff;
	v21 =	vshll.u32 v24, $0xC  }
0x66: {  	v14 =	vadd.s32 v14, v21;
	v21 =	vld [tilespmem:s21+$0x1A200];
	v19 =	vadd.f32 v19, v20  }
0x67: {  	v16 =	vld.idx.msk [tilespmem:v16+s3+$0x0], $0xffff;
	v20 =	vshll.u32 v23, $0xC  }
0x68: {  	v13 =	vadd.s32 v13, v20;
	v20 =	vld [tilespmem:s21+$0x1A280];
	v18 =	vadd.f32 v18, v19  }
0x69: {  	v15 =	vld.idx.msk [tilespmem:v15+s3+$0x0], $0xffff;
	v19 =	vshll.u32 v22, $0xC  }
0x6a: {  	v12 =	vadd.s32 v12, v19;
	v19 =	vld [tilespmem:s21+$0x1A300];
	v17 =	vadd.f32 v17, v18  }
0x6b: {  	v14 =	vld.idx.msk [tilespmem:v14+s3+$0x0], $0xffff;
	v18 =	vshll.u32 v21, $0xC  }
0x6c: {  	v11 =	vadd.s32 v11, v18;
	v18 =	vld [tilespmem:s23+$0x18000];
	v16 =	vadd.f32 v16, v17  }
0x6d: {  	v13 =	vld.idx.msk [tilespmem:v13+s3+$0x0], $0xffff;
	v17 =	vshll.u32 v20, $0xC  }
0x6e: {  	v10 =	vadd.s32 v10, v17;
	v17 =	vld [tilespmem:s21+$0x1B000];
	v15 =	vadd.f32 v15, v16  }
0x6f: {  	v12 =	vld.idx.msk [tilespmem:v12+s3+$0x0], $0xffff;
	v16 =	vshll.u32 v19, $0xC  }
0x70: {  	v9 =	vadd.s32 v9, v16;
	v16 =	vld [tilespmem:s21+$0x1B080];
	v14 =	vadd.f32 v14, v15  }
0x71: {  	v11 =	vld.idx.msk [tilespmem:v11+s3+$0x0], $0xffff;
	v15 =	vshll.u32 v18, $0xC  }
0x72: {  	v8 =	vadd.s32 v8, v15;
	v15 =	vld [tilespmem:s21+$0x1B100];
	v13 =	vadd.f32 v13, v14  }
0x73: {  	v10 =	vld.idx.msk [tilespmem:v10+s3+$0x0], $0xffff;
	v14 =	vshll.u32 v17, $0xC  }
0x74: {  	v7 =	vadd.s32 v7, v14;
	v14 =	vld [tilespmem:s22+$0x18000];
	v12 =	vadd.f32 v12, v13  }
0x75: {  	v9 =	vld.idx.msk [tilespmem:v9+s3+$0x0], $0xffff;
	v13 =	vshll.u32 v16, $0xC  }
0x76: {  	v6 =	vadd.s32 v6, v13;
	v13 =	vld [tilespmem:s21+$0x1B200];
	v11 =	vadd.f32 v11, v12  }
0x77: {  	v8 =	vld.idx.msk [tilespmem:v8+s3+$0x0], $0xffff;
	v12 =	vshll.u32 v15, $0xC  }
0x78: {  	v5 =	vadd.s32 v5, v12;
	v12 =	vld [tilespmem:s21+$0x1B280];
	v10 =	vadd.f32 v10, v11  }
0x79: {  	v7 =	vld.idx.msk [tilespmem:v7+s3+$0x0], $0xffff;
	v11 =	vshll.u32 v14, $0xC  }
0x7a: {  	v4 =	vadd.s32 v4, v11;
	v11 =	vld [tilespmem:s21+$0x1B300];
	v9 =	vadd.f32 v9, v10  }
0x7b: {  	v6 =	vld.idx.msk [tilespmem:v6+s3+$0x0], $0xffff;
	v10 =	vshll.u32 v13, $0xC  }
0x7c: {  	v3 =	vadd.s32 v3, v10;
	v10 =	vld [tilespmem:s20+$0x18000];
	v8 =	vadd.f32 v8, v9  }
0x7d: {  	v5 =	vld.idx.msk [tilespmem:v5+s3+$0x0], $0xffff;
	v9 =	vshll.u32 v12, $0xC  }
0x7e: {  	v2 =	vadd.s32 v2, v9;
	v7 =	vadd.f32 v7, v8  }
0x7f: {  	v4 =	vld.idx.msk [tilespmem:v4+s3+$0x0], $0xffff;
	v8 =	vshll.u32 v11, $0xC  }
0x80: {  	v1 =	vadd.s32 v1, v8;
	v6 =	vadd.f32 v6, v7  }
0x81: {  	v3 =	vld.idx.msk [tilespmem:v3+s3+$0x0], $0xffff;
	v7 =	vshll.u32 v10, $0xC  }
0x82: {  	v0 =	vadd.s32 v0, v7;
	v5 =	vadd.f32 v5, v6  }
0x83: {  	v2 =	vld.idx.msk [tilespmem:v2+s3+$0x0], $0xffff  }
0x84: {  	v4 =	vadd.f32 v4, v5  }
0x85: {  	v1 =	vld.idx.msk [tilespmem:v1+s3+$0x0], $0xffff  }
0x86: {  	v3 =	vadd.f32 v3, v4  }
0x87: {  	v0 =	vld.idx.msk [tilespmem:v0+s3+$0x0], $0xffff  }
0x88: {  	v2 =	vadd.f32 v2, v3;
	_ =	sdelay $0x1  }
0x89: {  	v1 =	vadd.f32 v1, v2;
	_ =	sdelay $0x1  }
0x8a: {  	v0 =	vadd.f32 v0, v1;
	_ =	sdelay $0x1  }
0x8b: {  	s24 =	simm.s32 $0x80;
	s23 =	simm.s32 $0x10;
	v0 =	vmul.f32 $3.125000000e-02, v0  }
0x8c: {  	s20 =	sor.u32 s23, s24  }
0x8d: {  	s25 =	sand.u32 $0xC00, s24;
	s0 =	sand.u32 $0x70, s23;
	s21 =	sor.u32 $0x3380, s20;
	[tilespmem:s18+$0x0] =	vst v0  }
0x8e: {  	s22 =	sor.u32 s0, s25;
	v0 =	vld [tilespmem:s21+$0x14000]  }
0x8f: {  	s26 =	sand.u32 $0xFFFFFC00, s24;
	v1 =	vld [tilespmem:s22+$0x17300]  }
0x90: {  	s31 =	sadd.s32 $0x10, s26;
	v2 =	vld [tilespmem:s22+$0x17280]  }
0x91: {  	s23 =	sor.u32 $0x3180, s31;
	v3 =	vld [tilespmem:s22+$0x17200]  }
0x92: {  	v4 =	vld [tilespmem:s23+$0x14000]  }
0x93: {  	v5 =	vld [tilespmem:s22+$0x17100]  }
0x94: {  	v6 =	vld [tilespmem:s22+$0x17080]  }
0x95: {  	s25 =	sor.u32 $0x2380, s20;
	v7 =	vld [tilespmem:s22+$0x17000]  }
0x96: {  	v8 =	vld [tilespmem:s25+$0x14000]  }
0x97: {  	v9 =	vld [tilespmem:s22+$0x16300]  }
0x98: {  	v10 =	vld [tilespmem:s22+$0x16280]  }
0x99: {  	s28 =	sor.u32 $0x2180, s31;
	v11 =	vld [tilespmem:s22+$0x16200]  }
0x9a: {  	v12 =	vld [tilespmem:s28+$0x14000]  }
0x9b: {  	v13 =	vld [tilespmem:s22+$0x16100]  }
0x9c: {  	v14 =	vld [tilespmem:s22+$0x16080]  }
0x9d: {  	s29 =	sor.u32 $0x1380, s20;
	v15 =	vld [tilespmem:s22+$0x16000]  }
0x9e: {  	v16 =	vld [tilespmem:s29+$0x14000]  }
0x9f: {  	v17 =	vld [tilespmem:s22+$0x15300]  }
0xa0: {  	v18 =	vld [tilespmem:s22+$0x15280]  }
0xa1: {  	s30 =	sor.u32 $0x1180, s31;
	v19 =	vld [tilespmem:s22+$0x15200]  }
0xa2: {  	v20 =	vld [tilespmem:s30+$0x14000]  }
0xa3: {  	v21 =	vld [tilespmem:s22+$0x15100]  }
0xa4: {  	v22 =	vld [tilespmem:s22+$0x15080]  }
0xa5: {  	s0 =	sor.u32 $0x380, s20;
	v23 =	vld [tilespmem:s22+$0x15000]  }
0xa6: {  	v24 =	vld [tilespmem:s0+$0x14000]  }
0xa7: {  	s26 =	simm.s32 $0x20;
	s20 =	simm.s32 $0x1C000;
	v25 =	vld [tilespmem:s22+$0x14300]  }
.LBB2_2:
0xa8: {  	p0 =	sne.s32 s26, $0x1F0;
	v26 =	vld [tilespmem:s22+$0x14280]  }
0xa9: {  	v27 =	vld [tilespmem:s22+$0x18000]  }
0xaa: {  	v28 =	vld [tilespmem:s22+$0x14000]  }
0xab: {  	v29 =	vld [tilespmem:s22+$0x18080]  }
0xac: {  	v30 =	vld [tilespmem:s22+$0x14080]  }
0xad: {  	v31 =	vld [tilespmem:s22+$0x18100]  }
0xae: {  	s31 =	sor.u32 $0x180, s31;
	v27 =	vshll.u32 v27, $0xC;
	v32 =	vld [tilespmem:s22+$0x14100]  }
0xaf: {  	v27 =	vadd.s32 v28, v27;
	v28 =	vld [tilespmem:s31+$0x18000]  }
0xb0: {  	v29 =	vshll.u32 v29, $0xC;
	v33 =	vld [tilespmem:s31+$0x14000]  }
0xb1: {  	v29 =	vadd.s32 v30, v29;
	v30 =	vld [tilespmem:s22+$0x18200]  }
0xb2: {  	v31 =	vshll.u32 v31, $0xC;
	v34 =	vld [tilespmem:s22+$0x14200]  }
0xb3: {  	v31 =	vadd.s32 v32, v31;
	v32 =	vld [tilespmem:s22+$0x18280]  }
0xb4: {  	v27 =	vld.idx.msk [tilespmem:v27+s3+$0x0], $0xffff;
	v28 =	vshll.u32 v28, $0xC  }
0xb5: {  	v28 =	vadd.s32 v33, v28;
	v33 =	vld [tilespmem:s22+$0x18300]  }
0xb6: {  	v29 =	vld.idx.msk [tilespmem:v29+s3+$0x0], $0xffff;
	v30 =	vshll.u32 v30, $0xC  }
0xb7: {  	v30 =	vadd.s32 v34, v30;
	v34 =	vld [tilespmem:s0+$0x18000]  }
0xb8: {  	v31 =	vld.idx.msk [tilespmem:v31+s3+$0x0], $0xffff;
	v32 =	vshll.u32 v32, $0xC  }
0xb9: {  	v26 =	vadd.s32 v26, v32;
	v32 =	vld [tilespmem:s22+$0x19000]  }
0xba: {  	v27 =	vadd.f32 $0.0e+00, v27;
	v28 =	vld.idx.msk [tilespmem:v28+s3+$0x0], $0xffff;
	v33 =	vshll.u32 v33, $0xC  }
0xbb: {  	v25 =	vadd.s32 v25, v33;
	v33 =	vld [tilespmem:s22+$0x19080]  }
0xbc: {  	v27 =	vadd.f32 v29, v27;
	v29 =	vld.idx.msk [tilespmem:v30+s3+$0x0], $0xffff;
	v30 =	vshll.u32 v34, $0xC  }
0xbd: {  	v24 =	vadd.s32 v24, v30;
	v30 =	vld [tilespmem:s22+$0x19100]  }
0xbe: {  	v27 =	vadd.f32 v31, v27;
	v26 =	vld.idx.msk [tilespmem:v26+s3+$0x0], $0xffff;
	v31 =	vshll.u32 v32, $0xC  }
0xbf: {  	v23 =	vadd.s32 v23, v31;
	v31 =	vld [tilespmem:s30+$0x18000]  }
0xc0: {  	v27 =	vadd.f32 v28, v27;
	v25 =	vld.idx.msk [tilespmem:v25+s3+$0x0], $0xffff;
	v28 =	vshll.u32 v33, $0xC  }
0xc1: {  	v22 =	vadd.s32 v22, v28;
	v28 =	vld [tilespmem:s22+$0x19200]  }
0xc2: {  	v27 =	vadd.f32 v29, v27;
	v24 =	vld.idx.msk [tilespmem:v24+s3+$0x0], $0xffff;
	v29 =	vshll.u32 v30, $0xC  }
0xc3: {  	v21 =	vadd.s32 v21, v29;
	v29 =	vld [tilespmem:s22+$0x19280]  }
0xc4: {  	v26 =	vadd.f32 v26, v27;
	v23 =	vld.idx.msk [tilespmem:v23+s3+$0x0], $0xffff;
	v27 =	vshll.u32 v31, $0xC  }
0xc5: {  	v20 =	vadd.s32 v20, v27;
	v27 =	vld [tilespmem:s22+$0x19300]  }
0xc6: {  	v25 =	vadd.f32 v25, v26;
	v22 =	vld.idx.msk [tilespmem:v22+s3+$0x0], $0xffff;
	v26 =	vshll.u32 v28, $0xC  }
0xc7: {  	v19 =	vadd.s32 v19, v26;
	v26 =	vld [tilespmem:s29+$0x18000]  }
0xc8: {  	v24 =	vadd.f32 v24, v25;
	v21 =	vld.idx.msk [tilespmem:v21+s3+$0x0], $0xffff;
	v25 =	vshll.u32 v29, $0xC  }
0xc9: {  	v18 =	vadd.s32 v18, v25;
	v25 =	vld [tilespmem:s22+$0x1A000]  }
0xca: {  	v23 =	vadd.f32 v23, v24;
	v20 =	vld.idx.msk [tilespmem:v20+s3+$0x0], $0xffff;
	v24 =	vshll.u32 v27, $0xC  }
0xcb: {  	v17 =	vadd.s32 v17, v24;
	v24 =	vld [tilespmem:s22+$0x1A080]  }
0xcc: {  	v22 =	vadd.f32 v22, v23;
	v19 =	vld.idx.msk [tilespmem:v19+s3+$0x0], $0xffff;
	v23 =	vshll.u32 v26, $0xC  }
0xcd: {  	v16 =	vadd.s32 v16, v23;
	v23 =	vld [tilespmem:s22+$0x1A100]  }
0xce: {  	v21 =	vadd.f32 v21, v22;
	v18 =	vld.idx.msk [tilespmem:v18+s3+$0x0], $0xffff;
	v22 =	vshll.u32 v25, $0xC  }
0xcf: {  	v15 =	vadd.s32 v15, v22;
	v22 =	vld [tilespmem:s28+$0x18000]  }
0xd0: {  	v20 =	vadd.f32 v20, v21;
	v17 =	vld.idx.msk [tilespmem:v17+s3+$0x0], $0xffff;
	v21 =	vshll.u32 v24, $0xC  }
0xd1: {  	v14 =	vadd.s32 v14, v21;
	v21 =	vld [tilespmem:s22+$0x1A200]  }
0xd2: {  	v19 =	vadd.f32 v19, v20;
	v16 =	vld.idx.msk [tilespmem:v16+s3+$0x0], $0xffff;
	v20 =	vshll.u32 v23, $0xC  }
0xd3: {  	v13 =	vadd.s32 v13, v20;
	v20 =	vld [tilespmem:s22+$0x1A280]  }
0xd4: {  	v18 =	vadd.f32 v18, v19;
	v15 =	vld.idx.msk [tilespmem:v15+s3+$0x0], $0xffff;
	v19 =	vshll.u32 v22, $0xC  }
0xd5: {  	v12 =	vadd.s32 v12, v19;
	v19 =	vld [tilespmem:s22+$0x1A300]  }
0xd6: {  	v17 =	vadd.f32 v17, v18;
	v14 =	vld.idx.msk [tilespmem:v14+s3+$0x0], $0xffff;
	v18 =	vshll.u32 v21, $0xC  }
0xd7: {  	v11 =	vadd.s32 v11, v18;
	v18 =	vld [tilespmem:s25+$0x18000]  }
0xd8: {  	v16 =	vadd.f32 v16, v17;
	v13 =	vld.idx.msk [tilespmem:v13+s3+$0x0], $0xffff;
	v17 =	vshll.u32 v20, $0xC  }
0xd9: {  	v10 =	vadd.s32 v10, v17;
	v17 =	vld [tilespmem:s22+$0x1B000]  }
0xda: {  	v15 =	vadd.f32 v15, v16;
	v12 =	vld.idx.msk [tilespmem:v12+s3+$0x0], $0xffff;
	v16 =	vshll.u32 v19, $0xC  }
0xdb: {  	v9 =	vadd.s32 v9, v16;
	v16 =	vld [tilespmem:s22+$0x1B080]  }
0xdc: {  	v14 =	vadd.f32 v14, v15;
	v11 =	vld.idx.msk [tilespmem:v11+s3+$0x0], $0xffff;
	v15 =	vshll.u32 v18, $0xC  }
0xdd: {  	v8 =	vadd.s32 v8, v15;
	v15 =	vld [tilespmem:s22+$0x1B100]  }
0xde: {  	v13 =	vadd.f32 v13, v14;
	v10 =	vld.idx.msk [tilespmem:v10+s3+$0x0], $0xffff;
	v14 =	vshll.u32 v17, $0xC  }
0xdf: {  	v7 =	vadd.s32 v7, v14;
	v14 =	vld [tilespmem:s23+$0x18000]  }
0xe0: {  	v12 =	vadd.f32 v12, v13;
	v9 =	vld.idx.msk [tilespmem:v9+s3+$0x0], $0xffff;
	v13 =	vshll.u32 v16, $0xC  }
0xe1: {  	v6 =	vadd.s32 v6, v13;
	v13 =	vld [tilespmem:s22+$0x1B200]  }
0xe2: {  	v11 =	vadd.f32 v11, v12;
	v8 =	vld.idx.msk [tilespmem:v8+s3+$0x0], $0xffff;
	v12 =	vshll.u32 v15, $0xC  }
0xe3: {  	v5 =	vadd.s32 v5, v12;
	v12 =	vld [tilespmem:s22+$0x1B280]  }
0xe4: {  	v10 =	vadd.f32 v10, v11;
	v7 =	vld.idx.msk [tilespmem:v7+s3+$0x0], $0xffff;
	v11 =	vshll.u32 v14, $0xC  }
0xe5: {  	v4 =	vadd.s32 v4, v11;
	v11 =	vld [tilespmem:s22+$0x1B300]  }
0xe6: {  	v9 =	vadd.f32 v9, v10;
	v6 =	vld.idx.msk [tilespmem:v6+s3+$0x0], $0xffff;
	v10 =	vshll.u32 v13, $0xC  }
0xe7: {  	v3 =	vadd.s32 v3, v10;
	v10 =	vld [tilespmem:s21+$0x18000]  }
0xe8: {  	v8 =	vadd.f32 v8, v9;
	v5 =	vld.idx.msk [tilespmem:v5+s3+$0x0], $0xffff;
	v9 =	vshll.u32 v12, $0xC  }
0xe9: {  	v2 =	vadd.s32 v2, v9  }
0xea: {  	v7 =	vadd.f32 v7, v8;
	v4 =	vld.idx.msk [tilespmem:v4+s3+$0x0], $0xffff;
	v8 =	vshll.u32 v11, $0xC  }
0xeb: {  	v1 =	vadd.s32 v1, v8  }
0xec: {  	v6 =	vadd.f32 v6, v7;
	v3 =	vld.idx.msk [tilespmem:v3+s3+$0x0], $0xffff;
	v7 =	vshll.u32 v10, $0xC  }
0xed: {  	v0 =	vadd.s32 v0, v7  }
0xee: {  	v5 =	vadd.f32 v5, v6;
	v2 =	vld.idx.msk [tilespmem:v2+s3+$0x0], $0xffff;
	_ =	sdelay $0x1  }
0xef: {  	v4 =	vadd.f32 v4, v5;
	v1 =	vld.idx.msk [tilespmem:v1+s3+$0x0], $0xffff;
	_ =	sdelay $0x1  }
0xf0: {  	v3 =	vadd.f32 v3, v4;
	v0 =	vld.idx.msk [tilespmem:v0+s3+$0x0], $0xffff;
	_ =	sdelay $0x1  }
0xf1: {  	v2 =	vadd.f32 v2, v3;
	_ =	sdelay $0x1  }
0xf2: {  	v1 =	vadd.f32 v1, v2;
	_ =	sdelay $0x1  }
0xf3: {  	v0 =	vadd.f32 v0, v1;
	_ =	sdelay $0x1  }
0xf4: {  	s24 =	sadd.s32 $0x80, s24;
	v0 =	vmul.f32 $3.125000000e-02, v0  }
0xf5: {  	s20 =	sadd.s32 $0x10, s20;
	s0 =	sor.u32 s26, s24  }
0xf6: {  	s23 =	sand.u32 $0xC00, s24;
	s22 =	sand.u32 $0x70, s26;
	s21 =	sor.u32 $0x3380, s0;
	[tilespmem:s20+$0x0] =	vst v0  }
0xf7: {  	s22 =	sor.u32 s22, s23;
	v0 =	vld [tilespmem:s21+$0x14000]  }
0xf8: {  	s23 =	sand.u32 $0xFFFFFC00, s24;
	v1 =	vld [tilespmem:s22+$0x17300]  }
0xf9: {  	s31 =	sadd.s32 s23, s26;
	v2 =	vld [tilespmem:s22+$0x17280]  }
0xfa: {  	s23 =	sor.u32 $0x3180, s31;
	v3 =	vld [tilespmem:s22+$0x17200]  }
0xfb: {  	v4 =	vld [tilespmem:s23+$0x14000]  }
0xfc: {  	v5 =	vld [tilespmem:s22+$0x17100]  }
0xfd: {  	v6 =	vld [tilespmem:s22+$0x17080]  }
0xfe: {  	s25 =	sor.u32 $0x2380, s0;
	v7 =	vld [tilespmem:s22+$0x17000]  }
0xff: {  	v8 =	vld [tilespmem:s25+$0x14000]  }
0x100: {  	v9 =	vld [tilespmem:s22+$0x16300]  }
0x101: {  	v10 =	vld [tilespmem:s22+$0x16280]  }
0x102: {  	s28 =	sor.u32 $0x2180, s31;
	v11 =	vld [tilespmem:s22+$0x16200]  }
0x103: {  	v12 =	vld [tilespmem:s28+$0x14000]  }
0x104: {  	v13 =	vld [tilespmem:s22+$0x16100]  }
0x105: {  	v14 =	vld [tilespmem:s22+$0x16080]  }
0x106: {  	s29 =	sor.u32 $0x1380, s0;
	v15 =	vld [tilespmem:s22+$0x16000]  }
0x107: {  	v16 =	vld [tilespmem:s29+$0x14000]  }
0x108: {  	v17 =	vld [tilespmem:s22+$0x15300]  }
0x109: {  	v18 =	vld [tilespmem:s22+$0x15280]  }
0x10a: {  	s30 =	sor.u32 $0x1180, s31;
	v19 =	vld [tilespmem:s22+$0x15200]  }
0x10b: {  	v20 =	vld [tilespmem:s30+$0x14000]  }
.Ltmp0:
0x10c: {  	v21 =	vld [tilespmem:s22+$0x15100];
	(pc) =	sbr.rel @p0 .LBB2_2-.Ltmp0, $4  }
0x10d: {  	v22 =	vld [tilespmem:s22+$0x15080]  }
0x10e: {  	s0 =	sor.u32 $0x380, s0;
	v23 =	vld [tilespmem:s22+$0x15000]  }
0x10f: {  	v24 =	vld [tilespmem:s0+$0x14000]  }
0x110: {  	s26 =	sadd.s32 $0x10, s26;
	v25 =	vld [tilespmem:s22+$0x14300]  }
0x111: {  	v26 =	vld [tilespmem:s22+$0x14280]  }
0x112: {  	v27 =	vld [tilespmem:s22+$0x18000]  }
0x113: {  	v28 =	vld [tilespmem:s22+$0x14000]  }
0x114: {  	v29 =	vld [tilespmem:s22+$0x18080]  }
0x115: {  	v30 =	vld [tilespmem:s22+$0x14080]  }
0x116: {  	v31 =	vld [tilespmem:s22+$0x18100]  }
0x117: {  	v32 =	vld [tilespmem:s22+$0x14100];
	s24 =	sor.u32 $0x180, s31;
	v27 =	vshll.u32 v27, $0xC  }
0x118: {  	v45 =	vld [tilespmem:s24+$0x18000];
	v27 =	vadd.s32 v28, v27  }
0x119: {  	v33 =	vld [tilespmem:s24+$0x14000];
	v29 =	vshll.u32 v29, $0xC  }
0x11a: {  	v46 =	vld [tilespmem:s22+$0x18200];
	v29 =	vadd.s32 v30, v29  }
0x11b: {  	v34 =	vld [tilespmem:s22+$0x14200];
	v31 =	vshll.u32 v31, $0xC  }
0x11c: {  	v47 =	vld [tilespmem:s22+$0x18280];
	v31 =	vadd.s32 v32, v31  }
0x11d: {  	v28 =	vshll.u32 v45, $0xC;
	v27 =	vld.idx.msk [tilespmem:v27+s3+$0x0], $0xffff  }
0x11e: {  	v48 =	vld [tilespmem:s22+$0x18300];
	v28 =	vadd.s32 v33, v28  }
0x11f: {  	v30 =	vshll.u32 v46, $0xC;
	v29 =	vld.idx.msk [tilespmem:v29+s3+$0x0], $0xffff  }
0x120: {  	v49 =	vld [tilespmem:s0+$0x18000];
	v30 =	vadd.s32 v34, v30  }
0x121: {  	v32 =	vshll.u32 v47, $0xC;
	v31 =	vld.idx.msk [tilespmem:v31+s3+$0x0], $0xffff  }
0x122: {  	v50 =	vld [tilespmem:s22+$0x19000];
	v26 =	vadd.s32 v26, v32;
	v27 =	vadd.f32 $0.0e+00, v27  }
0x123: {  	v33 =	vshll.u32 v48, $0xC;
	v28 =	vld.idx.msk [tilespmem:v28+s3+$0x0], $0xffff  }
0x124: {  	v51 =	vld [tilespmem:s22+$0x19080];
	v25 =	vadd.s32 v25, v33;
	v27 =	vadd.f32 v29, v27  }
0x125: {  	v53 =	vshll.u32 v49, $0xC;
	v52 =	vld.idx.msk [tilespmem:v30+s3+$0x0], $0xffff  }
0x126: {  	v54 =	vld [tilespmem:s22+$0x19100];
	v24 =	vadd.s32 v24, v53;
	v27 =	vadd.f32 v31, v27  }
0x127: {  	v55 =	vshll.u32 v50, $0xC;
	v26 =	vld.idx.msk [tilespmem:v26+s3+$0x0], $0xffff  }
0x128: {  	v56 =	vld [tilespmem:s30+$0x18000];
	v23 =	vadd.s32 v23, v55;
	v27 =	vadd.f32 v28, v27  }
0x129: {  	v57 =	vshll.u32 v51, $0xC;
	v25 =	vld.idx.msk [tilespmem:v25+s3+$0x0], $0xffff  }
0x12a: {  	v58 =	vld [tilespmem:s22+$0x19200];
	v22 =	vadd.s32 v22, v57;
	v27 =	vadd.f32 v52, v27  }
0x12b: {  	v59 =	vshll.u32 v54, $0xC;
	v24 =	vld.idx.msk [tilespmem:v24+s3+$0x0], $0xffff  }
0x12c: {  	v60 =	vld [tilespmem:s22+$0x19280];
	v21 =	vadd.s32 v21, v59;
	v26 =	vadd.f32 v26, v27  }
0x12d: {  	v61 =	vshll.u32 v56, $0xC;
	v23 =	vld.idx.msk [tilespmem:v23+s3+$0x0], $0xffff  }
0x12e: {  	v62 =	vld [tilespmem:s22+$0x19300];
	v20 =	vadd.s32 v20, v61;
	v25 =	vadd.f32 v25, v26  }
0x12f: {  	v63 =	vshll.u32 v58, $0xC;
	v22 =	vld.idx.msk [tilespmem:v22+s3+$0x0], $0xffff  }
0x130: {  	v19 =	vadd.s32 v19, v63;
	v28 =	vld [tilespmem:s29+$0x18000];
	v24 =	vadd.f32 v24, v25  }
0x131: {  	v21 =	vld.idx.msk [tilespmem:v21+s3+$0x0], $0xffff;
	v29 =	vshll.u32 v60, $0xC  }
0x132: {  	v30 =	vld [tilespmem:s22+$0x1A000];
	v18 =	vadd.s32 v18, v29;
	v23 =	vadd.f32 v23, v24  }
0x133: {  	v20 =	vld.idx.msk [tilespmem:v20+s3+$0x0], $0xffff;
	v31 =	vshll.u32 v62, $0xC  }
0x134: {  	v32 =	vld [tilespmem:s22+$0x1A080];
	v17 =	vadd.s32 v17, v31;
	v22 =	vadd.f32 v22, v23  }
0x135: {  	v19 =	vld.idx.msk [tilespmem:v19+s3+$0x0], $0xffff;
	v33 =	vshll.u32 v28, $0xC  }
0x136: {  	v34 =	vld [tilespmem:s22+$0x1A100];
	v16 =	vadd.s32 v16, v33;
	v21 =	vadd.f32 v21, v22  }
0x137: {  	v35 =	vshll.u32 v30, $0xC;
	v18 =	vld.idx.msk [tilespmem:v18+s3+$0x0], $0xffff  }
0x138: {  	v36 =	vld [tilespmem:s28+$0x18000];
	v15 =	vadd.s32 v15, v35;
	v20 =	vadd.f32 v20, v21  }
0x139: {  	v37 =	vshll.u32 v32, $0xC;
	v17 =	vld.idx.msk [tilespmem:v17+s3+$0x0], $0xffff  }
0x13a: {  	v38 =	vld [tilespmem:s22+$0x1A200];
	v14 =	vadd.s32 v14, v37;
	v19 =	vadd.f32 v19, v20  }
0x13b: {  	v39 =	vshll.u32 v34, $0xC;
	v16 =	vld.idx.msk [tilespmem:v16+s3+$0x0], $0xffff  }
0x13c: {  	v40 =	vld [tilespmem:s22+$0x1A280];
	v13 =	vadd.s32 v13, v39;
	v18 =	vadd.f32 v18, v19  }
0x13d: {  	v41 =	vshll.u32 v36, $0xC;
	v15 =	vld.idx.msk [tilespmem:v15+s3+$0x0], $0xffff  }
0x13e: {  	v42 =	vld [tilespmem:s22+$0x1A300];
	v12 =	vadd.s32 v12, v41;
	v17 =	vadd.f32 v17, v18  }
0x13f: {  	v43 =	vshll.u32 v38, $0xC;
	v14 =	vld.idx.msk [tilespmem:v14+s3+$0x0], $0xffff  }
0x140: {  	v44 =	vld [tilespmem:s25+$0x18000];
	v11 =	vadd.s32 v11, v43;
	v16 =	vadd.f32 v16, v17  }
0x141: {  	v45 =	vshll.u32 v40, $0xC;
	v13 =	vld.idx.msk [tilespmem:v13+s3+$0x0], $0xffff  }
0x142: {  	v46 =	vld [tilespmem:s22+$0x1B000];
	v10 =	vadd.s32 v10, v45;
	v15 =	vadd.f32 v15, v16  }
0x143: {  	v47 =	vshll.u32 v42, $0xC;
	v12 =	vld.idx.msk [tilespmem:v12+s3+$0x0], $0xffff  }
0x144: {  	v9 =	vadd.s32 v9, v47;
	v48 =	vld [tilespmem:s22+$0x1B080];
	v14 =	vadd.f32 v14, v15  }
0x145: {  	v49 =	vshll.u32 v44, $0xC;
	v11 =	vld.idx.msk [tilespmem:v11+s3+$0x0], $0xffff  }
0x146: {  	v50 =	vld [tilespmem:s22+$0x1B100];
	v8 =	vadd.s32 v8, v49;
	v13 =	vadd.f32 v13, v14  }
0x147: {  	v51 =	vshll.u32 v46, $0xC;
	v10 =	vld.idx.msk [tilespmem:v10+s3+$0x0], $0xffff  }
0x148: {  	v7 =	vadd.s32 v7, v51;
	v52 =	vld [tilespmem:s23+$0x18000];
	v12 =	vadd.f32 v12, v13  }
0x149: {  	v9 =	vld.idx.msk [tilespmem:v9+s3+$0x0], $0xffff;
	v53 =	vshll.u32 v48, $0xC  }
0x14a: {  	v54 =	vld [tilespmem:s22+$0x1B200];
	v6 =	vadd.s32 v6, v53;
	v11 =	vadd.f32 v11, v12  }
0x14b: {  	v55 =	vshll.u32 v50, $0xC;
	v8 =	vld.idx.msk [tilespmem:v8+s3+$0x0], $0xffff  }
0x14c: {  	v56 =	vld [tilespmem:s22+$0x1B280];
	v5 =	vadd.s32 v5, v55;
	v10 =	vadd.f32 v10, v11  }
0x14d: {  	v7 =	vld.idx.msk [tilespmem:v7+s3+$0x0], $0xffff;
	v57 =	vshll.u32 v52, $0xC  }
0x14e: {  	v58 =	vld [tilespmem:s22+$0x1B300];
	v4 =	vadd.s32 v4, v57;
	v9 =	vadd.f32 v9, v10  }
0x14f: {  	v59 =	vshll.u32 v54, $0xC;
	v6 =	vld.idx.msk [tilespmem:v6+s3+$0x0], $0xffff  }
0x150: {  	v3 =	vadd.s32 v3, v59;
	v60 =	vld [tilespmem:s21+$0x18000];
	v8 =	vadd.f32 v8, v9  }
0x151: {  	v61 =	vshll.u32 v56, $0xC;
	v5 =	vld.idx.msk [tilespmem:v5+s3+$0x0], $0xffff  }
0x152: {  	v2 =	vadd.s32 v2, v61;
	v7 =	vadd.f32 v7, v8  }
0x153: {  	v62 =	vshll.u32 v58, $0xC;
	v4 =	vld.idx.msk [tilespmem:v4+s3+$0x0], $0xffff  }
0x154: {  	v1 =	vadd.s32 v1, v62;
	v6 =	vadd.f32 v6, v7  }
0x155: {  	v3 =	vld.idx.msk [tilespmem:v3+s3+$0x0], $0xffff;
	v63 =	vshll.u32 v60, $0xC  }
0x156: {  	v0 =	vadd.s32 v0, v63;
	v5 =	vadd.f32 v5, v6  }
0x157: {  	v2 =	vld.idx.msk [tilespmem:v2+s3+$0x0], $0xffff  }
0x158: {  	v4 =	vadd.f32 v4, v5  }
0x159: {  	v1 =	vld.idx.msk [tilespmem:v1+s3+$0x0], $0xffff  }
0x15a: {  	v3 =	vadd.f32 v3, v4  }
0x15b: {  	v0 =	vld.idx.msk [tilespmem:v0+s3+$0x0], $0xffff  }
0x15c: {  	v2 =	vadd.f32 v2, v3;
	_ =	sdelay $0x1  }
0x15d: {  	v1 =	vadd.f32 v1, v2;
	_ =	sdelay $0x1  }
0x15e: {  	v0 =	vadd.f32 v0, v1;
	_ =	sdelay $0x1  }
0x15f: {  	s19 =	sadd.s32 $0x1, s19;
	v0 =	vmul.f32 $3.125000000e-02, v0  }
0x160: {  	s31 =	sadd.s32 $0x10, s20;
	p0 =	sne.s32 s19, s9  }
.Ltmp1:
0x161: {  	[tilespmem:s31+$0x0] =	vst v0;
	(pc) =	sbr.rel @p0 .LBB2_1-.Ltmp1, $4  }
0x162: {  	[hbm4b:s8+s3] =	stream.linear.scatter [tilespmem:s18], [sflag:$0x3], $0x200, $0x38;
	[tilespmem:$0x1D600] =	vst v63  }
0x163: {  	_ =	swait.ge [sflag:s15], $0x200  }
0x164: {  	[sflag:s15] =	ssyncset.done $0x0  }
0x165: {  	[sflag:s15] =	ssyncadd.s32 $0xFFFFFE00  }
0x166: {  	_ =	sfence.sel $0x180000  }
0x167: {  	[bflag:$0x0] =	sbarrier.arrive $0xFFFF  }
0x168: {  	_ =	strace $0x90000047  }
0x169: {  	[bflag:$0x2] =	sbarrier.arrive $0xFFFF  }
0x16a: {  	p0 =	sne.s32 s1, $0x0;
	s0 =	rddreg [dreg:$0x5]  }
0x16b: {  	s0 =	sadd.s32 @!p0 $0x100000, s0  }
0x16c: {  	[sflag:s0] =	ssyncadd.tile.s32 @!p0 $0x1;
	_ =	shalt  }
.Lfunc_end2:
_tile_overlayer_lowered:
.L_overlay_start_2:
0x16d: {  	(tag) =	ssettag $0x2  }
0x16e: {  	s0 =	rddreg [dreg:$0x0];
	s2 =	stileid.u32  }
0x16f: {  	s1 =	rddreg [dreg:$0x1];
	p0 =	sne.s32 s2, $0x0  }
0x170: {  	s3 =	rddreg [dreg:$0x2];
	[bflag:$0x3] =	sbarrier.arrive $0xFFFF;
	s2 =	simm.s32 @!p0 $0x1C03  }
0x171: {  	[timem:s3], [sflag:s2] =	dma.local @!p0 [hbm:s0], s1  }
0x172: {  	s0 =	simm.s32 @!p0 $0x3  }
0x173: {  	_ =	swait.ge @!p0 [sflag:s0], s1  }
0x174: {  	s1 =	ssub.s32 @!p0 $0x0, s1;
	[sflag:s0] =	ssyncset.done @!p0 $0x0  }
0x175: {  	[sflag:s0] =	ssyncadd.s32 @!p0 s1  }
0x176: {  	[bflag:$0x3] =	sbarrier.arrive $0xFFFF  }
0x177: {  	_ =	shalt  }

</sc_bundles>
